<compile_context>
chip_gen: v7x
topology: tpu7x:2x2x1
jax: 0.10.2.dev20260603
libtpu: 0.0.44.dev20260713+nightly
codegen_flags: <defaults>
</compile_context>

<pallas_src>
import functools

import jax
import jax.numpy as jnp
from jax import lax
from jax.experimental import pallas as pl
from jax.experimental.pallas import tpu as pltpu
from jax.experimental.pallas import tpu_sc as plsc

N_TOKENS = 32768
D_MODEL = 768
N_EXPERTS = 64
N_ACTIVE = 8
BLOCK_ROWS = 4096

_NUM_SC = 2
_NUM_SUBCORES = 16
_NW = _NUM_SC * _NUM_SUBCORES
_ROWS_PER_W = N_TOKENS // _NW
_LANES = 16


def _probs_block(x_ref, w_ref, probs_ref):
    x = x_ref[...]
    w = w_ref[...]
    lt = jax.lax.dot_general(
        w, x, (((1,), (1,)), ((), ())), preferred_element_type=jnp.float32
    )
    m = jnp.max(lt, axis=0, keepdims=True)
    et = jnp.exp(lt - m)
    s = jnp.sum(et, axis=0, keepdims=True)
    probs_ref[...] = (et / s).T


def _tc_probs(x, W):
    n = x.shape[0]
    return pl.pallas_call(
        _probs_block,
        grid=(n // BLOCK_ROWS,),
        in_specs=[
            pl.BlockSpec((BLOCK_ROWS, D_MODEL), lambda i: (i, 0)),
            pl.BlockSpec((N_EXPERTS, D_MODEL), lambda i: (0, 0)),
        ],
        out_specs=pl.BlockSpec((BLOCK_ROWS, N_EXPERTS), lambda i: (i, 0)),
        out_shape=jax.ShapeDtypeStruct((n, N_EXPERTS), jnp.float32),
    )(x, W)


def _merge_top8(ak, av, bk, bv, lo8, descending):
    mk = jnp.where(lo8, ak, bk)
    mv = jnp.where(lo8, av, bv)
    return plsc.sort_key_val(mk, mv, descending=descending)


_CHUNK = 512
_N_CHUNKS = _ROWS_PER_W // _CHUNK


def _sc_topk_body(probs_hbm, vals_hbm, idx_hbm, pbuf, vbuf, ibuf):
    wid = lax.axis_index("s") * _NUM_SC + lax.axis_index("c")
    base = wid * _ROWS_PER_W

    lane = lax.iota(jnp.int32, _LANES)
    lo8 = lane < N_ACTIVE

    for chunk in range(_N_CHUNKS):
        cbase = base + chunk * _CHUNK
        pltpu.sync_copy(probs_hbm.at[pl.ds(cbase, _CHUNK)], pbuf)

        @plsc.parallel_loop(0, _CHUNK)
        def _row(r):
            ks = []
            vs = []
            for c in range(N_EXPERTS // _LANES):
                k = pbuf[r, pl.ds(c * _LANES, _LANES)]
                sk, sv = plsc.sort_key_val(
                    k, lane + c * _LANES, descending=(c % 2 == 0)
                )
                ks.append(sk)
                vs.append(sv)
            k01, v01 = _merge_top8(
                ks[0], vs[0], ks[1], vs[1], lo8, descending=True
            )
            k23, v23 = _merge_top8(
                ks[2], vs[2], ks[3], vs[3], lo8, descending=False
            )
            k8, v8 = _merge_top8(k01, v01, k23, v23, lo8, descending=True)
            s8 = jnp.sum(jnp.where(lo8, k8, 0.0))
            vals = k8 / (s8 + 1e-6)
            off = pl.multiple_of(r * N_ACTIVE, 8)
            plsc.store_compressed(vbuf.at[pl.ds(off, _LANES)], vals, mask=lo8)
            plsc.store_compressed(ibuf.at[pl.ds(off, _LANES)], v8, mask=lo8)

        nout = _CHUNK * N_ACTIVE
        pltpu.sync_copy(
            vbuf.at[pl.ds(0, nout)],
            vals_hbm.at[pl.ds(cbase * N_ACTIVE, nout)],
        )
        pltpu.sync_copy(
            ibuf.at[pl.ds(0, nout)],
            idx_hbm.at[pl.ds(cbase * N_ACTIVE, nout)],
        )


_sc_topk = functools.partial(
    pl.kernel,
    out_type=[
        jax.ShapeDtypeStruct((N_TOKENS * N_ACTIVE,), jnp.float32),
        jax.ShapeDtypeStruct((N_TOKENS * N_ACTIVE,), jnp.int32),
    ],
    mesh=plsc.VectorSubcoreMesh(core_axis_name="c", subcore_axis_name="s"),
    compiler_params=pltpu.CompilerParams(needs_layout_passes=False),
    scratch_types=[
        pltpu.VMEM((_CHUNK, N_EXPERTS), jnp.float32),
        pltpu.VMEM((_CHUNK * N_ACTIVE + 8,), jnp.float32),
        pltpu.VMEM((_CHUNK * N_ACTIVE + 8,), jnp.int32),
    ],
)(_sc_topk_body)


@jax.jit
def kernel(x, W):
    probs = _tc_probs(x, W)
    vals_flat, idx_flat = _sc_topk(probs)
    vals = vals_flat.reshape(N_TOKENS, N_ACTIVE)
    idx = idx_flat.reshape(N_TOKENS, N_ACTIVE)
    return (vals, idx, probs)

# --- scband reference (transcript-rebuilt; emitter-appended) ---
"""Pipeline reference for scband-top-krouter-40355512714056 (READ-ONLY COPY).

The authoritative reference and input builder live on the scoring server;
editing this copy changes nothing except your own understanding.
"""

import jax, jax.numpy as jnp
import numpy as np

N_TOKENS = 32768
D_MODEL = 768
N_EXPERTS = 64
N_ACTIVE = 8


def setup_inputs(seed: int = 0) -> dict:
    key = jax.random.key(seed)
    kx, kw = jax.random.split(key)
    x = jax.random.normal(kx, (N_TOKENS, D_MODEL), dtype=jnp.float32)
    # Gate weight for linear router: nn.Linear(d_model, n_experts, bias=False) -> weight [n_experts, d_model].
    # The torch module zero-inits this weight; we use small random weights so routing is nontrivial.
    W = jax.random.normal(kw, (N_EXPERTS, D_MODEL), dtype=jnp.float32) * 0.02
    return {"x": x, "W": W}


def reference(x, W):
    # logits = gate(x)  (linear, no bias); eval mode so no jitter noise
    logits = x @ W.T  # (N, n_experts)
    router_probs = jax.nn.softmax(logits, axis=-1)
    topk_vals, topk_idx = jax.lax.top_k(router_probs, N_ACTIVE)
    # norm_prob=True
    topk_vals = topk_vals / (jnp.sum(topk_vals, axis=-1, keepdims=True) + 1e-06)
    return (topk_vals, topk_idx, router_probs)

if __name__ == "__main__":
    import jax
    _d = setup_inputs()
    print(jax.jit(kernel)(*tuple(_d.values())))

</pallas_src>

<mosaic_0001>
#map = affine_map<(d0, d1) -> (0, 0)>
#map1 = affine_map<(d0, d1) -> (0)>
module attributes {stable_mosaic.version = 14 : i64} {
  func.func @_sc_topk_body(%arg0: i32, %arg1: i32, %arg2: memref<32768x64xf32, #tpu.memory_space<hbm>>, %arg3: memref<262144xf32, #tpu.memory_space<hbm>>, %arg4: memref<262144xi32, #tpu.memory_space<hbm>>, %arg5: memref<512x64xf32, #tpu.memory_space<vmem>>, %arg6: memref<4104xf32, #tpu.memory_space<vmem>>, %arg7: memref<4104xi32, #tpu.memory_space<vmem>>) attributes {dimension_semantics = [#tpu.dimension_semantics<core_parallel>, #tpu.dimension_semantics<subcore_parallel>], iteration_bounds = array<i64: 2, 16>, scalar_prefetch = 0 : i64, scratch_operands = 3 : i64, tpu.core_type = #tpu.core_type<sc_vector_subcore>, window_params = [{transform_indices = #map}, {transform_indices = #map1}, {transform_indices = #map1}]} {
    %mul3A = arith.constant 2 : i32
    %mul3A_0 = arith.muli %arg1, %mul3A : i32
    %add3A = arith.addi %mul3A_0, %arg0 : i32
    %mul3A_1 = arith.constant 1024 : i32
    %mul3A_2 = arith.muli %add3A, %mul3A_1 : i32
    %iota3A = tpu.iota {dimensions = array<i32: 0>} : vector<16xi32>
    %lt3A = arith.constant 8 : i32
    %lt3A_3 = vector.broadcast %lt3A : i32 to vector<16xi32>
    %lt3A_4 = arith.cmpi slt, %iota3A, %lt3A_3 : vector<16xi32>
    %add3A_5 = arith.constant 0 : i32
    %add3A_6 = arith.addi %mul3A_2, %add3A_5 : i32
    "tpu.region"() ({
      %run_scoped3A = tpu.sem_alloc : memref<!tpu.dma_semaphore, #tpu.memory_space<semaphore_mem>>
      %dma_start3A = arith.constant 0 : i32
      %dma_start3A_22 = tpu.memref_slice %arg2[%add3A_6, %dma_start3A] : memref<32768x64xf32, #tpu.memory_space<hbm>> -> memref<512x64xf32, #tpu.memory_space<hbm>>
      %dma_start3A_23 = arith.constant 0 : i32
      %dma_start3A_24 = tpu.memref_slice %arg2[%add3A_6, %dma_start3A_23] : memref<32768x64xf32, #tpu.memory_space<hbm>> -> memref<512x64xf32, #tpu.memory_space<hbm>>
      tpu.enqueue_dma source(%dma_start3A_24 : memref<512x64xf32, #tpu.memory_space<hbm>>) target(%arg5 : memref<512x64xf32, #tpu.memory_space<vmem>>) target_semaphore(%run_scoped3A : memref<!tpu.dma_semaphore, #tpu.memory_space<semaphore_mem>>)
      %dma_wait3A = arith.constant 0 : i32
      %dma_wait3A_25 = tpu.memref_slice %arg2[%add3A_6, %dma_wait3A] : memref<32768x64xf32, #tpu.memory_space<hbm>> -> memref<512x64xf32, #tpu.memory_space<hbm>>
      %dma_wait3A_26 = arith.constant 0 : i32
      %dma_wait3A_27 = tpu.memref_slice %arg2[%add3A_6, %dma_wait3A_26] : memref<32768x64xf32, #tpu.memory_space<hbm>> -> memref<512x64xf32, #tpu.memory_space<hbm>>
      tpu.wait_dma2 semaphore(%run_scoped3A : memref<!tpu.dma_semaphore, #tpu.memory_space<semaphore_mem>>) src(%dma_wait3A_27 : memref<512x64xf32, #tpu.memory_space<hbm>>) dst(%arg5 : memref<512x64xf32, #tpu.memory_space<vmem>>)
      tpu.yield
    }) : () -> ()
    %parallel_loop3A = arith.constant 0 : i32
    %parallel_loop3A_7 = arith.constant 512 : i32
    %parallel_loop3A_8 = arith.constant 1 : i32
    scf.for %parallel_loop3A_22 = %parallel_loop3A to %parallel_loop3A_7 step %parallel_loop3A_8  : i32 {
      %parallel_loop3A_23 = arith.index_cast %parallel_loop3A_22 : i32 to index
      %parallel_loop3A_24 = arith.constant 0 : index
      %parallel_loop3A_25 = tpu.vector_load %arg5[%parallel_loop3A_23, %parallel_loop3A_24] {strides = array<i32>} : memref<512x64xf32, #tpu.memory_space<vmem>>, vector<16xf32>,
      %parallel_loop3A_26 = arith.constant 0 : i32
      %parallel_loop3A_27 = vector.broadcast %parallel_loop3A_26 : i32 to vector<16xi32>
      %parallel_loop3A_28 = arith.addi %iota3A, %parallel_loop3A_27 : vector<16xi32>
      %parallel_loop3A_29 = arith.constant dense<true> : vector<16xi1>
      %parallel_loop3A_30, %parallel_loop3A_31, %parallel_loop3A_32 = tpu.sort %parallel_loop3A_25, %parallel_loop3A_28 masked %parallel_loop3A_29 {descending = true} : (vector<16xf32>, vector<16xi32>, vector<16xi1>) -> (vector<16xi1>, vector<16xf32>, vector<16xi32>)
      %parallel_loop3A_33 = arith.index_cast %parallel_loop3A_22 : i32 to index
      %parallel_loop3A_34 = arith.constant 16 : index
      %parallel_loop3A_35 = tpu.vector_load %arg5[%parallel_loop3A_33, %parallel_loop3A_34] {strides = array<i32>} : memref<512x64xf32, #tpu.memory_space<vmem>>, vector<16xf32>,
      %parallel_loop3A_36 = arith.constant 16 : i32
      %parallel_loop3A_37 = vector.broadcast %parallel_loop3A_36 : i32 to vector<16xi32>
      %parallel_loop3A_38 = arith.addi %iota3A, %parallel_loop3A_37 : vector<16xi32>
      %parallel_loop3A_39 = arith.constant dense<true> : vector<16xi1>
      %parallel_loop3A_40, %parallel_loop3A_41, %parallel_loop3A_42 = tpu.sort %parallel_loop3A_35, %parallel_loop3A_38 masked %parallel_loop3A_39 : (vector<16xf32>, vector<16xi32>, vector<16xi1>) -> (vector<16xi1>, vector<16xf32>, vector<16xi32>)
      %parallel_loop3A_43 = arith.index_cast %parallel_loop3A_22 : i32 to index
      %parallel_loop3A_44 = arith.constant 32 : index
      %parallel_loop3A_45 = tpu.vector_load %arg5[%parallel_loop3A_43, %parallel_loop3A_44] {strides = array<i32>} : memref<512x64xf32, #tpu.memory_space<vmem>>, vector<16xf32>,
      %parallel_loop3A_46 = arith.constant 32 : i32
      %parallel_loop3A_47 = vector.broadcast %parallel_loop3A_46 : i32 to vector<16xi32>
      %parallel_loop3A_48 = arith.addi %iota3A, %parallel_loop3A_47 : vector<16xi32>
      %parallel_loop3A_49 = arith.constant dense<true> : vector<16xi1>
      %parallel_loop3A_50, %parallel_loop3A_51, %parallel_loop3A_52 = tpu.sort %parallel_loop3A_45, %parallel_loop3A_48 masked %parallel_loop3A_49 {descending = true} : (vector<16xf32>, vector<16xi32>, vector<16xi1>) -> (vector<16xi1>, vector<16xf32>, vector<16xi32>)
      %parallel_loop3A_53 = arith.index_cast %parallel_loop3A_22 : i32 to index
      %parallel_loop3A_54 = arith.constant 48 : index
      %parallel_loop3A_55 = tpu.vector_load %arg5[%parallel_loop3A_53, %parallel_loop3A_54] {strides = array<i32>} : memref<512x64xf32, #tpu.memory_space<vmem>>, vector<16xf32>,
      %parallel_loop3A_56 = arith.constant 48 : i32
      %parallel_loop3A_57 = vector.broadcast %parallel_loop3A_56 : i32 to vector<16xi32>
      %parallel_loop3A_58 = arith.addi %iota3A, %parallel_loop3A_57 : vector<16xi32>
      %parallel_loop3A_59 = arith.constant dense<true> : vector<16xi1>
      %parallel_loop3A_60, %parallel_loop3A_61, %parallel_loop3A_62 = tpu.sort %parallel_loop3A_55, %parallel_loop3A_58 masked %parallel_loop3A_59 : (vector<16xf32>, vector<16xi32>, vector<16xi1>) -> (vector<16xi1>, vector<16xf32>, vector<16xi32>)
      %parallel_loop3A_63 = arith.select %lt3A_4, %parallel_loop3A_31, %parallel_loop3A_41 : vector<16xi1>, vector<16xf32>
      %parallel_loop3A_64 = arith.select %lt3A_4, %parallel_loop3A_32, %parallel_loop3A_42 : vector<16xi1>, vector<16xi32>
      %parallel_loop3A_65 = arith.constant dense<true> : vector<16xi1>
      %parallel_loop3A_66, %parallel_loop3A_67, %parallel_loop3A_68 = tpu.sort %parallel_loop3A_63, %parallel_loop3A_64 masked %parallel_loop3A_65 {descending = true} : (vector<16xf32>, vector<16xi32>, vector<16xi1>) -> (vector<16xi1>, vector<16xf32>, vector<16xi32>)
      %parallel_loop3A_69 = arith.select %lt3A_4, %parallel_loop3A_51, %parallel_loop3A_61 : vector<16xi1>, vector<16xf32>
      %parallel_loop3A_70 = arith.select %lt3A_4, %parallel_loop3A_52, %parallel_loop3A_62 : vector<16xi1>, vector<16xi32>
      %parallel_loop3A_71 = arith.constant dense<true> : vector<16xi1>
      %parallel_loop3A_72, %parallel_loop3A_73, %parallel_loop3A_74 = tpu.sort %parallel_loop3A_69, %parallel_loop3A_70 masked %parallel_loop3A_71 : (vector<16xf32>, vector<16xi32>, vector<16xi1>) -> (vector<16xi1>, vector<16xf32>, vector<16xi32>)
      %parallel_loop3A_75 = arith.select %lt3A_4, %parallel_loop3A_67, %parallel_loop3A_73 : vector<16xi1>, vector<16xf32>
      %parallel_loop3A_76 = arith.select %lt3A_4, %parallel_loop3A_68, %parallel_loop3A_74 : vector<16xi1>, vector<16xi32>
      %parallel_loop3A_77 = arith.constant dense<true> : vector<16xi1>
      %parallel_loop3A_78, %parallel_loop3A_79, %parallel_loop3A_80 = tpu.sort %parallel_loop3A_75, %parallel_loop3A_76 masked %parallel_loop3A_77 {descending = true} : (vector<16xf32>, vector<16xi32>, vector<16xi1>) -> (vector<16xi1>, vector<16xf32>, vector<16xi32>)
      %parallel_loop3A_81 = arith.constant 0.000000e+00 : f32
      %parallel_loop3A_82 = vector.broadcast %parallel_loop3A_81 : f32 to vector<16xf32>
      %parallel_loop3A_83 = arith.select %lt3A_4, %parallel_loop3A_79, %parallel_loop3A_82 : vector<16xi1>, vector<16xf32>
      %parallel_loop3A_84 = arith.constant true
      %parallel_loop3A_85 = vector.broadcast %parallel_loop3A_84 : i1 to vector<16xi1>
      %parallel_loop3A_86 = tpu.scan <sum>, %parallel_loop3A_83 masked %parallel_loop3A_85 : vector<16xf32>, vector<16xi1> -> vector<16xf32>
      %parallel_loop3A_87 = vector.extract %parallel_loop3A_86[15] : f32 from vector<16xf32>
      %parallel_loop3A_88 = arith.constant 9.99999997E-7 : f32
      %parallel_loop3A_89 = arith.addf %parallel_loop3A_87, %parallel_loop3A_88 : f32
      %parallel_loop3A_90 = vector.broadcast %parallel_loop3A_89 : f32 to vector<16xf32>
      %parallel_loop3A_91 = arith.divf %parallel_loop3A_79, %parallel_loop3A_90 : vector<16xf32>
      %parallel_loop3A_92 = arith.constant 8 : i32
      %parallel_loop3A_93 = arith.muli %parallel_loop3A_22, %parallel_loop3A_92 : i32
      %parallel_loop3A_94 = tpu.assume_multiple %parallel_loop3A_93, 8 : i32
      %parallel_loop3A_95 = arith.index_cast %parallel_loop3A_94 : i32 to index
      %parallel_loop3A_96 = tpu.vector_load %arg6[%parallel_loop3A_95] masked %lt3A_4 {strides = array<i32>} : memref<4104xf32, #tpu.memory_space<vmem>>, vector<16xf32>, vector<16xi1>
      tpu.vector_store %arg6[%parallel_loop3A_95], %parallel_loop3A_91 masked %lt3A_4 {strides = array<i32>} : memref<4104xf32, #tpu.memory_space<vmem>>, vector<16xf32>, vector<16xi1>
      %parallel_loop3A_97 = arith.index_cast %parallel_loop3A_94 : i32 to index
      %parallel_loop3A_98 = tpu.vector_load %arg7[%parallel_loop3A_97] masked %lt3A_4 {strides = array<i32>} : memref<4104xi32, #tpu.memory_space<vmem>>, vector<16xi32>, vector<16xi1>
      tpu.vector_store %arg7[%parallel_loop3A_97], %parallel_loop3A_80 masked %lt3A_4 {strides = array<i32>} : memref<4104xi32, #tpu.memory_space<vmem>>, vector<16xi32>, vector<16xi1>
    } {sc.loop_unroll_factor = 1 : i64, sc.parallel_access}
    %mul3A_9 = arith.constant 8 : i32
    %mul3A_10 = arith.muli %add3A_6, %mul3A_9 : i32
    "tpu.region"() ({
      %run_scoped3A = tpu.sem_alloc : memref<!tpu.dma_semaphore, #tpu.memory_space<semaphore_mem>>
      %dma_start3A = arith.constant 0 : i32
      %dma_start3A_22 = tpu.memref_slice %arg6[%dma_start3A] : memref<4104xf32, #tpu.memory_space<vmem>> -> memref<4096xf32, #tpu.memory_space<vmem>>
      %dma_start3A_23 = tpu.memref_slice %arg3[%mul3A_10] : memref<262144xf32, #tpu.memory_space<hbm>> -> memref<4096xf32, #tpu.memory_space<hbm>>
      %dma_start3A_24 = tpu.memref_slice %arg3[%mul3A_10] : memref<262144xf32, #tpu.memory_space<hbm>> -> memref<4096xf32, #tpu.memory_space<hbm>>
      %dma_start3A_25 = arith.constant 0 : i32
      %dma_start3A_26 = tpu.memref_slice %arg6[%dma_start3A_25] : memref<4104xf32, #tpu.memory_space<vmem>> -> memref<4096xf32, #tpu.memory_space<vmem>>
      tpu.enqueue_dma source(%dma_start3A_26 : memref<4096xf32, #tpu.memory_space<vmem>>) target(%dma_start3A_24 : memref<4096xf32, #tpu.memory_space<hbm>>) target_semaphore(%run_scoped3A : memref<!tpu.dma_semaphore, #tpu.memory_space<semaphore_mem>>)
      %dma_wait3A = arith.constant 0 : i32
      %dma_wait3A_27 = tpu.memref_slice %arg6[%dma_wait3A] : memref<4104xf32, #tpu.memory_space<vmem>> -> memref<4096xf32, #tpu.memory_space<vmem>>
      %dma_wait3A_28 = tpu.memref_slice %arg3[%mul3A_10] : memref<262144xf32, #tpu.memory_space<hbm>> -> memref<4096xf32, #tpu.memory_space<hbm>>
      %dma_wait3A_29 = tpu.memref_slice %arg3[%mul3A_10] : memref<262144xf32, #tpu.memory_space<hbm>> -> memref<4096xf32, #tpu.memory_space<hbm>>
      %dma_wait3A_30 = arith.constant 0 : i32
      %dma_wait3A_31 = tpu.memref_slice %arg6[%dma_wait3A_30] : memref<4104xf32, #tpu.memory_space<vmem>> -> memref<4096xf32, #tpu.memory_space<vmem>>
      tpu.wait_dma2 semaphore(%run_scoped3A : memref<!tpu.dma_semaphore, #tpu.memory_space<semaphore_mem>>) src(%dma_wait3A_31 : memref<4096xf32, #tpu.memory_space<vmem>>) dst(%dma_wait3A_29 : memref<4096xf32, #tpu.memory_space<hbm>>)
      tpu.yield
    }) : () -> ()
    %mul3A_11 = arith.constant 8 : i32
    %mul3A_12 = arith.muli %add3A_6, %mul3A_11 : i32
    "tpu.region"() ({
      %run_scoped3A = tpu.sem_alloc : memref<!tpu.dma_semaphore, #tpu.memory_space<semaphore_mem>>
      %dma_start3A = arith.constant 0 : i32
      %dma_start3A_22 = tpu.memref_slice %arg7[%dma_start3A] : memref<4104xi32, #tpu.memory_space<vmem>> -> memref<4096xi32, #tpu.memory_space<vmem>>
      %dma_start3A_23 = tpu.memref_slice %arg4[%mul3A_12] : memref<262144xi32, #tpu.memory_space<hbm>> -> memref<4096xi32, #tpu.memory_space<hbm>>
      %dma_start3A_24 = tpu.memref_slice %arg4[%mul3A_12] : memref<262144xi32, #tpu.memory_space<hbm>> -> memref<4096xi32, #tpu.memory_space<hbm>>
      %dma_start3A_25 = arith.constant 0 : i32
      %dma_start3A_26 = tpu.memref_slice %arg7[%dma_start3A_25] : memref<4104xi32, #tpu.memory_space<vmem>> -> memref<4096xi32, #tpu.memory_space<vmem>>
      tpu.enqueue_dma source(%dma_start3A_26 : memref<4096xi32, #tpu.memory_space<vmem>>) target(%dma_start3A_24 : memref<4096xi32, #tpu.memory_space<hbm>>) target_semaphore(%run_scoped3A : memref<!tpu.dma_semaphore, #tpu.memory_space<semaphore_mem>>)
      %dma_wait3A = arith.constant 0 : i32
      %dma_wait3A_27 = tpu.memref_slice %arg7[%dma_wait3A] : memref<4104xi32, #tpu.memory_space<vmem>> -> memref<4096xi32, #tpu.memory_space<vmem>>
      %dma_wait3A_28 = tpu.memref_slice %arg4[%mul3A_12] : memref<262144xi32, #tpu.memory_space<hbm>> -> memref<4096xi32, #tpu.memory_space<hbm>>
      %dma_wait3A_29 = tpu.memref_slice %arg4[%mul3A_12] : memref<262144xi32, #tpu.memory_space<hbm>> -> memref<4096xi32, #tpu.memory_space<hbm>>
      %dma_wait3A_30 = arith.constant 0 : i32
      %dma_wait3A_31 = tpu.memref_slice %arg7[%dma_wait3A_30] : memref<4104xi32, #tpu.memory_space<vmem>> -> memref<4096xi32, #tpu.memory_space<vmem>>
      tpu.wait_dma2 semaphore(%run_scoped3A : memref<!tpu.dma_semaphore, #tpu.memory_space<semaphore_mem>>) src(%dma_wait3A_31 : memref<4096xi32, #tpu.memory_space<vmem>>) dst(%dma_wait3A_29 : memref<4096xi32, #tpu.memory_space<hbm>>)
      tpu.yield
    }) : () -> ()
    %add3A_13 = arith.constant 512 : i32
    %add3A_14 = arith.addi %mul3A_2, %add3A_13 : i32
    "tpu.region"() ({
      %run_scoped3A = tpu.sem_alloc : memref<!tpu.dma_semaphore, #tpu.memory_space<semaphore_mem>>
      %dma_start3A = arith.constant 0 : i32
      %dma_start3A_22 = tpu.memref_slice %arg2[%add3A_14, %dma_start3A] : memref<32768x64xf32, #tpu.memory_space<hbm>> -> memref<512x64xf32, #tpu.memory_space<hbm>>
      %dma_start3A_23 = arith.constant 0 : i32
      %dma_start3A_24 = tpu.memref_slice %arg2[%add3A_14, %dma_start3A_23] : memref<32768x64xf32, #tpu.memory_space<hbm>> -> memref<512x64xf32, #tpu.memory_space<hbm>>
      tpu.enqueue_dma source(%dma_start3A_24 : memref<512x64xf32, #tpu.memory_space<hbm>>) target(%arg5 : memref<512x64xf32, #tpu.memory_space<vmem>>) target_semaphore(%run_scoped3A : memref<!tpu.dma_semaphore, #tpu.memory_space<semaphore_mem>>)
      %dma_wait3A = arith.constant 0 : i32
      %dma_wait3A_25 = tpu.memref_slice %arg2[%add3A_14, %dma_wait3A] : memref<32768x64xf32, #tpu.memory_space<hbm>> -> memref<512x64xf32, #tpu.memory_space<hbm>>
      %dma_wait3A_26 = arith.constant 0 : i32
      %dma_wait3A_27 = tpu.memref_slice %arg2[%add3A_14, %dma_wait3A_26] : memref<32768x64xf32, #tpu.memory_space<hbm>> -> memref<512x64xf32, #tpu.memory_space<hbm>>
      tpu.wait_dma2 semaphore(%run_scoped3A : memref<!tpu.dma_semaphore, #tpu.memory_space<semaphore_mem>>) src(%dma_wait3A_27 : memref<512x64xf32, #tpu.memory_space<hbm>>) dst(%arg5 : memref<512x64xf32, #tpu.memory_space<vmem>>)
      tpu.yield
    }) : () -> ()
    %parallel_loop3A_15 = arith.constant 0 : i32
    %parallel_loop3A_16 = arith.constant 512 : i32
    %parallel_loop3A_17 = arith.constant 1 : i32
    scf.for %parallel_loop3A_22 = %parallel_loop3A_15 to %parallel_loop3A_16 step %parallel_loop3A_17  : i32 {
      %parallel_loop3A_23 = arith.index_cast %parallel_loop3A_22 : i32 to index
      %parallel_loop3A_24 = arith.constant 0 : index
      %parallel_loop3A_25 = tpu.vector_load %arg5[%parallel_loop3A_23, %parallel_loop3A_24] {strides = array<i32>} : memref<512x64xf32, #tpu.memory_space<vmem>>, vector<16xf32>,
      %parallel_loop3A_26 = arith.constant 0 : i32
      %parallel_loop3A_27 = vector.broadcast %parallel_loop3A_26 : i32 to vector<16xi32>
      %parallel_loop3A_28 = arith.addi %iota3A, %parallel_loop3A_27 : vector<16xi32>
      %parallel_loop3A_29 = arith.constant dense<true> : vector<16xi1>
      %parallel_loop3A_30, %parallel_loop3A_31, %parallel_loop3A_32 = tpu.sort %parallel_loop3A_25, %parallel_loop3A_28 masked %parallel_loop3A_29 {descending = true} : (vector<16xf32>, vector<16xi32>, vector<16xi1>) -> (vector<16xi1>, vector<16xf32>, vector<16xi32>)
      %parallel_loop3A_33 = arith.index_cast %parallel_loop3A_22 : i32 to index
      %parallel_loop3A_34 = arith.constant 16 : index
      %parallel_loop3A_35 = tpu.vector_load %arg5[%parallel_loop3A_33, %parallel_loop3A_34] {strides = array<i32>} : memref<512x64xf32, #tpu.memory_space<vmem>>, vector<16xf32>,
      %parallel_loop3A_36 = arith.constant 16 : i32
      %parallel_loop3A_37 = vector.broadcast %parallel_loop3A_36 : i32 to vector<16xi32>
      %parallel_loop3A_38 = arith.addi %iota3A, %parallel_loop3A_37 : vector<16xi32>
      %parallel_loop3A_39 = arith.constant dense<true> : vector<16xi1>
      %parallel_loop3A_40, %parallel_loop3A_41, %parallel_loop3A_42 = tpu.sort %parallel_loop3A_35, %parallel_loop3A_38 masked %parallel_loop3A_39 : (vector<16xf32>, vector<16xi32>, vector<16xi1>) -> (vector<16xi1>, vector<16xf32>, vector<16xi32>)
      %parallel_loop3A_43 = arith.index_cast %parallel_loop3A_22 : i32 to index
      %parallel_loop3A_44 = arith.constant 32 : index
      %parallel_loop3A_45 = tpu.vector_load %arg5[%parallel_loop3A_43, %parallel_loop3A_44] {strides = array<i32>} : memref<512x64xf32, #tpu.memory_space<vmem>>, vector<16xf32>,
      %parallel_loop3A_46 = arith.constant 32 : i32
      %parallel_loop3A_47 = vector.broadcast %parallel_loop3A_46 : i32 to vector<16xi32>
      %parallel_loop3A_48 = arith.addi %iota3A, %parallel_loop3A_47 : vector<16xi32>
      %parallel_loop3A_49 = arith.constant dense<true> : vector<16xi1>
      %parallel_loop3A_50, %parallel_loop3A_51, %parallel_loop3A_52 = tpu.sort %parallel_loop3A_45, %parallel_loop3A_48 masked %parallel_loop3A_49 {descending = true} : (vector<16xf32>, vector<16xi32>, vector<16xi1>) -> (vector<16xi1>, vector<16xf32>, vector<16xi32>)
      %parallel_loop3A_53 = arith.index_cast %parallel_loop3A_22 : i32 to index
      %parallel_loop3A_54 = arith.constant 48 : index
      %parallel_loop3A_55 = tpu.vector_load %arg5[%parallel_loop3A_53, %parallel_loop3A_54] {strides = array<i32>} : memref<512x64xf32, #tpu.memory_space<vmem>>, vector<16xf32>,
      %parallel_loop3A_56 = arith.constant 48 : i32
      %parallel_loop3A_57 = vector.broadcast %parallel_loop3A_56 : i32 to vector<16xi32>
      %parallel_loop3A_58 = arith.addi %iota3A, %parallel_loop3A_57 : vector<16xi32>
      %parallel_loop3A_59 = arith.constant dense<true> : vector<16xi1>
      %parallel_loop3A_60, %parallel_loop3A_61, %parallel_loop3A_62 = tpu.sort %parallel_loop3A_55, %parallel_loop3A_58 masked %parallel_loop3A_59 : (vector<16xf32>, vector<16xi32>, vector<16xi1>) -> (vector<16xi1>, vector<16xf32>, vector<16xi32>)
      %parallel_loop3A_63 = arith.select %lt3A_4, %parallel_loop3A_31, %parallel_loop3A_41 : vector<16xi1>, vector<16xf32>
      %parallel_loop3A_64 = arith.select %lt3A_4, %parallel_loop3A_32, %parallel_loop3A_42 : vector<16xi1>, vector<16xi32>
      %parallel_loop3A_65 = arith.constant dense<true> : vector<16xi1>
      %parallel_loop3A_66, %parallel_loop3A_67, %parallel_loop3A_68 = tpu.sort %parallel_loop3A_63, %parallel_loop3A_64 masked %parallel_loop3A_65 {descending = true} : (vector<16xf32>, vector<16xi32>, vector<16xi1>) -> (vector<16xi1>, vector<16xf32>, vector<16xi32>)
      %parallel_loop3A_69 = arith.select %lt3A_4, %parallel_loop3A_51, %parallel_loop3A_61 : vector<16xi1>, vector<16xf32>
      %parallel_loop3A_70 = arith.select %lt3A_4, %parallel_loop3A_52, %parallel_loop3A_62 : vector<16xi1>, vector<16xi32>
      %parallel_loop3A_71 = arith.constant dense<true> : vector<16xi1>
      %parallel_loop3A_72, %parallel_loop3A_73, %parallel_loop3A_74 = tpu.sort %parallel_loop3A_69, %parallel_loop3A_70 masked %parallel_loop3A_71 : (vector<16xf32>, vector<16xi32>, vector<16xi1>) -> (vector<16xi1>, vector<16xf32>, vector<16xi32>)
      %parallel_loop3A_75 = arith.select %lt3A_4, %parallel_loop3A_67, %parallel_loop3A_73 : vector<16xi1>, vector<16xf32>
      %parallel_loop3A_76 = arith.select %lt3A_4, %parallel_loop3A_68, %parallel_loop3A_74 : vector<16xi1>, vector<16xi32>
      %parallel_loop3A_77 = arith.constant dense<true> : vector<16xi1>
      %parallel_loop3A_78, %parallel_loop3A_79, %parallel_loop3A_80 = tpu.sort %parallel_loop3A_75, %parallel_loop3A_76 masked %parallel_loop3A_77 {descending = true} : (vector<16xf32>, vector<16xi32>, vector<16xi1>) -> (vector<16xi1>, vector<16xf32>, vector<16xi32>)
      %parallel_loop3A_81 = arith.constant 0.000000e+00 : f32
      %parallel_loop3A_82 = vector.broadcast %parallel_loop3A_81 : f32 to vector<16xf32>
      %parallel_loop3A_83 = arith.select %lt3A_4, %parallel_loop3A_79, %parallel_loop3A_82 : vector<16xi1>, vector<16xf32>
      %parallel_loop3A_84 = arith.constant true
      %parallel_loop3A_85 = vector.broadcast %parallel_loop3A_84 : i1 to vector<16xi1>
      %parallel_loop3A_86 = tpu.scan <sum>, %parallel_loop3A_83 masked %parallel_loop3A_85 : vector<16xf32>, vector<16xi1> -> vector<16xf32>
      %parallel_loop3A_87 = vector.extract %parallel_loop3A_86[15] : f32 from vector<16xf32>
      %parallel_loop3A_88 = arith.constant 9.99999997E-7 : f32
      %parallel_loop3A_89 = arith.addf %parallel_loop3A_87, %parallel_loop3A_88 : f32
      %parallel_loop3A_90 = vector.broadcast %parallel_loop3A_89 : f32 to vector<16xf32>
      %parallel_loop3A_91 = arith.divf %parallel_loop3A_79, %parallel_loop3A_90 : vector<16xf32>
      %parallel_loop3A_92 = arith.constant 8 : i32
      %parallel_loop3A_93 = arith.muli %parallel_loop3A_22, %parallel_loop3A_92 : i32
      %parallel_loop3A_94 = tpu.assume_multiple %parallel_loop3A_93, 8 : i32
      %parallel_loop3A_95 = arith.index_cast %parallel_loop3A_94 : i32 to index
      %parallel_loop3A_96 = tpu.vector_load %arg6[%parallel_loop3A_95] masked %lt3A_4 {strides = array<i32>} : memref<4104xf32, #tpu.memory_space<vmem>>, vector<16xf32>, vector<16xi1>
      tpu.vector_store %arg6[%parallel_loop3A_95], %parallel_loop3A_91 masked %lt3A_4 {strides = array<i32>} : memref<4104xf32, #tpu.memory_space<vmem>>, vector<16xf32>, vector<16xi1>
      %parallel_loop3A_97 = arith.index_cast %parallel_loop3A_94 : i32 to index
      %parallel_loop3A_98 = tpu.vector_load %arg7[%parallel_loop3A_97] masked %lt3A_4 {strides = array<i32>} : memref<4104xi32, #tpu.memory_space<vmem>>, vector<16xi32>, vector<16xi1>
      tpu.vector_store %arg7[%parallel_loop3A_97], %parallel_loop3A_80 masked %lt3A_4 {strides = array<i32>} : memref<4104xi32, #tpu.memory_space<vmem>>, vector<16xi32>, vector<16xi1>
    } {sc.loop_unroll_factor = 1 : i64, sc.parallel_access}
    %mul3A_18 = arith.constant 8 : i32
    %mul3A_19 = arith.muli %add3A_14, %mul3A_18 : i32
    "tpu.region"() ({
      %run_scoped3A = tpu.sem_alloc : memref<!tpu.dma_semaphore, #tpu.memory_space<semaphore_mem>>
      %dma_start3A = arith.constant 0 : i32
      %dma_start3A_22 = tpu.memref_slice %arg6[%dma_start3A] : memref<4104xf32, #tpu.memory_space<vmem>> -> memref<4096xf32, #tpu.memory_space<vmem>>
      %dma_start3A_23 = tpu.memref_slice %arg3[%mul3A_19] : memref<262144xf32, #tpu.memory_space<hbm>> -> memref<4096xf32, #tpu.memory_space<hbm>>
      %dma_start3A_24 = tpu.memref_slice %arg3[%mul3A_19] : memref<262144xf32, #tpu.memory_space<hbm>> -> memref<4096xf32, #tpu.memory_space<hbm>>
      %dma_start3A_25 = arith.constant 0 : i32
      %dma_start3A_26 = tpu.memref_slice %arg6[%dma_start3A_25] : memref<4104xf32, #tpu.memory_space<vmem>> -> memref<4096xf32, #tpu.memory_space<vmem>>
      tpu.enqueue_dma source(%dma_start3A_26 : memref<4096xf32, #tpu.memory_space<vmem>>) target(%dma_start3A_24 : memref<4096xf32, #tpu.memory_space<hbm>>) target_semaphore(%run_scoped3A : memref<!tpu.dma_semaphore, #tpu.memory_space<semaphore_mem>>)
      %dma_wait3A = arith.constant 0 : i32
      %dma_wait3A_27 = tpu.memref_slice %arg6[%dma_wait3A] : memref<4104xf32, #tpu.memory_space<vmem>> -> memref<4096xf32, #tpu.memory_space<vmem>>
      %dma_wait3A_28 = tpu.memref_slice %arg3[%mul3A_19] : memref<262144xf32, #tpu.memory_space<hbm>> -> memref<4096xf32, #tpu.memory_space<hbm>>
      %dma_wait3A_29 = tpu.memref_slice %arg3[%mul3A_19] : memref<262144xf32, #tpu.memory_space<hbm>> -> memref<4096xf32, #tpu.memory_space<hbm>>
      %dma_wait3A_30 = arith.constant 0 : i32
      %dma_wait3A_31 = tpu.memref_slice %arg6[%dma_wait3A_30] : memref<4104xf32, #tpu.memory_space<vmem>> -> memref<4096xf32, #tpu.memory_space<vmem>>
      tpu.wait_dma2 semaphore(%run_scoped3A : memref<!tpu.dma_semaphore, #tpu.memory_space<semaphore_mem>>) src(%dma_wait3A_31 : memref<4096xf32, #tpu.memory_space<vmem>>) dst(%dma_wait3A_29 : memref<4096xf32, #tpu.memory_space<hbm>>)
      tpu.yield
    }) : () -> ()
    %mul3A_20 = arith.constant 8 : i32
    %mul3A_21 = arith.muli %add3A_14, %mul3A_20 : i32
    "tpu.region"() ({
      %run_scoped3A = tpu.sem_alloc : memref<!tpu.dma_semaphore, #tpu.memory_space<semaphore_mem>>
      %dma_start3A = arith.constant 0 : i32
      %dma_start3A_22 = tpu.memref_slice %arg7[%dma_start3A] : memref<4104xi32, #tpu.memory_space<vmem>> -> memref<4096xi32, #tpu.memory_space<vmem>>
      %dma_start3A_23 = tpu.memref_slice %arg4[%mul3A_21] : memref<262144xi32, #tpu.memory_space<hbm>> -> memref<4096xi32, #tpu.memory_space<hbm>>
      %dma_start3A_24 = tpu.memref_slice %arg4[%mul3A_21] : memref<262144xi32, #tpu.memory_space<hbm>> -> memref<4096xi32, #tpu.memory_space<hbm>>
      %dma_start3A_25 = arith.constant 0 : i32
      %dma_start3A_26 = tpu.memref_slice %arg7[%dma_start3A_25] : memref<4104xi32, #tpu.memory_space<vmem>> -> memref<4096xi32, #tpu.memory_space<vmem>>
      tpu.enqueue_dma source(%dma_start3A_26 : memref<4096xi32, #tpu.memory_space<vmem>>) target(%dma_start3A_24 : memref<4096xi32, #tpu.memory_space<hbm>>) target_semaphore(%run_scoped3A : memref<!tpu.dma_semaphore, #tpu.memory_space<semaphore_mem>>)
      %dma_wait3A = arith.constant 0 : i32
      %dma_wait3A_27 = tpu.memref_slice %arg7[%dma_wait3A] : memref<4104xi32, #tpu.memory_space<vmem>> -> memref<4096xi32, #tpu.memory_space<vmem>>
      %dma_wait3A_28 = tpu.memref_slice %arg4[%mul3A_21] : memref<262144xi32, #tpu.memory_space<hbm>> -> memref<4096xi32, #tpu.memory_space<hbm>>
      %dma_wait3A_29 = tpu.memref_slice %arg4[%mul3A_21] : memref<262144xi32, #tpu.memory_space<hbm>> -> memref<4096xi32, #tpu.memory_space<hbm>>
      %dma_wait3A_30 = arith.constant 0 : i32
      %dma_wait3A_31 = tpu.memref_slice %arg7[%dma_wait3A_30] : memref<4104xi32, #tpu.memory_space<vmem>> -> memref<4096xi32, #tpu.memory_space<vmem>>
      tpu.wait_dma2 semaphore(%run_scoped3A : memref<!tpu.dma_semaphore, #tpu.memory_space<semaphore_mem>>) src(%dma_wait3A_31 : memref<4096xi32, #tpu.memory_space<vmem>>) dst(%dma_wait3A_29 : memref<4096xi32, #tpu.memory_space<hbm>>)
      tpu.yield
    }) : () -> ()
    return
  }
}

module attributes {stable_mosaic.version = 14 : i64} {
  func.func @_probs_block(%arg0: i32, %arg1: memref<4096x768xf32, #tpu.memory_space<vmem>>, %arg2: memref<64x768xf32, #tpu.memory_space<vmem>>, %arg3: memref<4096x64xf32, #tpu.memory_space<vmem>>) attributes {dimension_semantics = [#tpu.dimension_semantics<arbitrary>], iteration_bounds = array<i64: 8>, scalar_prefetch = 0 : i64, scratch_operands = 0 : i64, tpu.core_type = #tpu.core_type<tc>, window_params = [{transform_indices = @transform_0, window_bounds = array<i64: 4096, 768>}, {pipeline_mode = #tpu.pipeline_mode<synchronous>, transform_indices = @transform_1, window_bounds = array<i64: 64, 768>}, {transform_indices = @transform_2, window_bounds = array<i64: 4096, 64>}]} {
    %get3A = arith.constant 0 : index
    %get3A_0 = arith.constant 0 : index
    %get3A_1 = vector.load %arg1[%get3A, %get3A_0] : memref<4096x768xf32, #tpu.memory_space<vmem>>, vector<4096x768xf32>
    %get3A_2 = arith.constant 0 : index
    %get3A_3 = arith.constant 0 : index
    %get3A_4 = vector.load %arg2[%get3A_2, %get3A_3] : memref<64x768xf32, #tpu.memory_space<vmem>>, vector<64x768xf32>
    %dot_general3A = arith.constant dense<0.000000e+00> : vector<64x4096xf32>
    %dot_general3A_5 = tpu.matmul %get3A_4, %get3A_1, %dot_general3A {dimension_numbers = #tpu.dot_dimension_numbers<[1], [1], [0], [0], [0, 0, 1, 0], [], []>, transpose_lhs_hint = false} : vector<64x768xf32>, vector<4096x768xf32>, vector<64x4096xf32> -> vector<64x4096xf32>
    %reduce_max3A = arith.constant dense<0xFF800000> : vector<4096xf32>
    %reduce_max3A_6 = vector.multi_reduction <maximumf>, %dot_general3A_5, %reduce_max3A [0] : vector<64x4096xf32> to vector<4096xf32>
    %broadcast_in_dim3A = vector.shape_cast %reduce_max3A_6 : vector<4096xf32> to vector<1x4096xf32>
    %sub3A = vector.broadcast %broadcast_in_dim3A : vector<1x4096xf32> to vector<64x4096xf32>
    %sub3A_7 = arith.subf %dot_general3A_5, %sub3A : vector<64x4096xf32>
    %exp3A = math.exp %sub3A_7 : vector<64x4096xf32>
    %reduce_sum3A = arith.constant dense<0.000000e+00> : vector<4096xf32>
    %reduce_sum3A_8 = vector.multi_reduction <add>, %exp3A, %reduce_sum3A [0] : vector<64x4096xf32> to vector<4096xf32>
    %broadcast_in_dim3A_9 = vector.shape_cast %reduce_sum3A_8 : vector<4096xf32> to vector<1x4096xf32>
    %div3A = vector.broadcast %broadcast_in_dim3A_9 : vector<1x4096xf32> to vector<64x4096xf32>
    %div3A_10 = arith.divf %exp3A, %div3A : vector<64x4096xf32>
    %transpose3A = tpu.transpose %div3A_10, [1, 0] : vector<64x4096xf32> -> vector<4096x64xf32>
    %swap3A = arith.constant 0 : index
    %swap3A_11 = arith.constant 0 : index
    %swap3A_12 = vector.load %arg3[%swap3A, %swap3A_11] : memref<4096x64xf32, #tpu.memory_space<vmem>>, vector<4096x64xf32>
    tpu.vector_store %arg3[%swap3A, %swap3A_11], %transpose3A {strides = array<i32>} : memref<4096x64xf32, #tpu.memory_space<vmem>>, vector<4096x64xf32>,
    return
  }
  func.func @transform_0(%arg0: i32) -> (i32, i32) {
    %c0_i32 = arith.constant 0 : i32
    %c0_i32_0 = arith.constant 0 : i32
    return %arg0, %c0_i32 : i32, i32
  }
  func.func @transform_1(%arg0: i32) -> (i32, i32) {
    %c0_i32 = arith.constant 0 : i32
    %c0_i32_0 = arith.constant 0 : i32
    %c0_i32_1 = arith.constant 0 : i32
    return %c0_i32, %c0_i32_0 : i32, i32
  }
  func.func @transform_2(%arg0: i32) -> (i32, i32) {
    %c0_i32 = arith.constant 0 : i32
    %c0_i32_0 = arith.constant 0 : i32
    return %arg0, %c0_i32 : i32, i32
  }
}

</mosaic_0001>

<sc_bundles>
// kernel: kernel.4.cloned.1.call-start
scs
__scs_entry_jumppad:
0x0: {  	(pc) =	sbr.rel $0x88, $3  }
0x1: {  	(tag) =	ssettag $0x0;
	lr =	simm.s32 $0x1  }
0x2: {  	[smem:$0x3F9F] =	sst lr;
	_ =	strace $0xD0000000  }
0x3: {  	_ = 	snop  }
0x4: {  	_ = 	snop  }
0x5: {  	_ = 	snop  }
0x6: {  	_ = 	snop  }
0x7: {  	_ = 	snop  }
__scs_overlays_trampoline_lowered:
0x8: {  	[smem:$0x3FAE] =	sst s0  }
0x9: {  	[smem:$0x3FAF] =	sst s1  }
0xa: {  	[smem:$0x3FB0] =	sst s2  }
0xb: {  	[smem:$0x3FB1] =	sst s3  }
0xc: {  	[smem:$0x3FB2] =	sst s4  }
0xd: {  	[smem:$0x3FB3] =	sst s5  }
0xe: {  	[smem:$0x3FB4] =	sst s6  }
0xf: {  	[smem:$0x3FB5] =	sst s7  }
0x10: {  	[smem:$0x3FB6] =	sst s8  }
0x11: {  	[smem:$0x3FB7] =	sst s9;
	s0 =	simm.s32 @!p0 $0x0  }
0x12: {  	s1 =	sld [smem:$0x3F9D];
	s0 =	simm.s32 @p0 $0x1  }
0x13: {  	[smem:$0x3FB8] =	sst s0;
	s0 =	simm.s32 @!p1 $0x0  }
0x14: {  	s2 =	sld [smem:$0x3F9C];
	s0 =	simm.s32 @p1 $0x1  }
0x15: {  	[smem:$0x3FB9] =	sst s0;
	s0 =	simm.s32 @!p2 $0x0  }
0x16: {  	s3 =	sld [smem:$0x3FDB];
	s0 =	simm.s32 @p2 $0x1  }
0x17: {  	s4 =	simm.s32 $0x1BF5;
	[smem:$0x3FBB] =	sst s0  }
0x18: {  	s0 =	sld [smem:$0x3F9E];
	_ =	swait.ge [sflag:s4], $0x0  }
0x19: {  	s7 =	sld [smem:$0x3F9F]  }
0x1a: {  	s8 =	sadd.s32 $0xFFFFE003, lr  }
0x1b: {  	s9 =	sadd.s32 $0xFFFFFEF7, lr;
	s5 =	simm.s32 $0xFFFFFFFF;
	p2 =	slt.u32 s8, $0xFFFFF086  }
0x1c: {  	p1 =	slt.u32 s9, $0xF7A;
	s5 =	simm.s32 @!p2 $0x0  }
0x1d: {  	s5 =	simm.s32 @p1 $0x1;
	p0 =	seq.s32 s7, s2  }
0x1e: {  	s7 =	smul.u32 @!p0 $0xF7A, s2;
	p2 =	seq.s32 @!p0 s5, $0x0  }
0x1f: {  	s9 =	smul.u32 $0xF7A, s1;
	s8 =	simm.s32 @!p0 $0x1BF5;
	p2 =	por !p2, p0  }
0x20: {  	[sflag:s8] =	ssyncset.s32 @!p0 $0xFFFFF086;
	s6 =	sadd.s32 @!p0 s3, s7;
	s7 =	simm.s32 @!p0 $0x108  }
0x21: {  	s3 =	sadd.s32 s3, s9;
	s6 =	sadd.s32 @!p0 $0x88, s6;
	s7 =	simm.s32 @p2 $0x1082  }
0x22: {  	[simem:s7], [sflag:s8] =	dma.local @!p0 [hbm:s6], $0xF7A  }
0x23: {  	s9 =	sor.u32 $0xD0000000, s2;
	s6 =	simm.s32 $0x108;
	_ =	swait.ge @!p0 [sflag:s8], $0x0  }
0x24: {  	s3 =	sadd.s32 $0x88, s3;
	s6 =	simm.s32 @!p1 $0x1082;
	[sflag:s4] =	ssyncset.s32 $0xFFFFF086  }
0x25: {  	[simem:s6], [sflag:s4] =	dma.local [hbm:s3], $0xF7A  }
0x26: {  	[smem:$0x3F9F] =	sst s1;
	(tag) =	ssettag s2;
	_ =	strace s9  }
0x27: {  	s1 =	sld [smem:$0x3FAF]  }
0x28: {  	s2 =	sld [smem:$0x3FB0]  }
0x29: {  	s4 =	sld [smem:$0x3FB2]  }
0x2a: {  	p0 =	seq.s32 s5, $0x0;
	s5 =	sld [smem:$0x3FB3]  }
0x2b: {  	s6 =	sld [smem:$0x3FB4]  }
0x2c: {  	s7 =	sld [smem:$0x3FB5]  }
0x2d: {  	s3 =	simm.s32 $0x108;
	s8 =	sld [smem:$0x3FB6]  }
0x2e: {  	s3 =	simm.s32 @!p0 $0x1082;
	s9 =	sld [smem:$0x3FB7]  }
0x2f: {  	lr =	sadd.s32 s0, s3;
	s0 =	sld [smem:$0x3FAE]  }
0x30: {  	s3 =	sld [smem:$0x3FB1]  }
0x31: {  	[smem:$0x3FBA] =	sst s10  }
0x32: {  	s10 =	sld [smem:$0x3FB8];
	_ =	sdelay $0x3  }
0x33: {  	p0 =	seq.s32 s10, $0x1;
	s10 =	sld [smem:$0x3FBA];
	_ =	sdelay $0x3  }
0x34: {  	[smem:$0x3FBA] =	sst s10  }
0x35: {  	s10 =	sld [smem:$0x3FB9];
	_ =	sdelay $0x3  }
0x36: {  	p1 =	seq.s32 s10, $0x1;
	s10 =	sld [smem:$0x3FBA];
	_ =	sdelay $0x3  }
0x37: {  	[smem:$0x3FBA] =	sst s10  }
0x38: {  	s10 =	sld [smem:$0x3FBB]  }
0x39: {  	_ = 	snop;
	(pc) =	sbr.ind lr, $3  }
0x3a: {  	_ = 	snop  }
0x3b: {  	_ = 	snop  }
0x3c: {  	p2 =	seq.s32 s10, $0x1;
	s10 =	sld [smem:$0x3FBA]  }
0x3d: {  	_ =	shalt  }
0x3e: {  	_ =	shalt  }
0x3f: {  	_ =	shalt  }
0x40: {  	_ =	shalt  }
0x41: {  	_ =	shalt  }
0x42: {  	_ =	shalt  }
0x43: {  	_ =	shalt  }
0x44: {  	_ =	shalt  }
0x45: {  	_ =	shalt  }
0x46: {  	_ =	shalt  }
0x47: {  	_ =	shalt  }
0x48: {  	_ =	shalt  }
0x49: {  	_ =	shalt  }
0x4a: {  	_ =	shalt  }
0x4b: {  	_ =	shalt  }
0x4c: {  	_ =	shalt  }
0x4d: {  	_ =	shalt  }
0x4e: {  	_ =	shalt  }
0x4f: {  	_ =	shalt  }
0x50: {  	_ =	shalt  }
0x51: {  	_ =	shalt  }
0x52: {  	_ =	shalt  }
0x53: {  	_ =	shalt  }
0x54: {  	_ =	shalt  }
0x55: {  	_ =	shalt  }
0x56: {  	_ =	shalt  }
0x57: {  	_ =	shalt  }
0x58: {  	_ =	shalt  }
0x59: {  	_ =	shalt  }
0x5a: {  	_ =	shalt  }
0x5b: {  	_ =	shalt  }
0x5c: {  	_ =	shalt  }
0x5d: {  	_ =	shalt  }
0x5e: {  	_ =	shalt  }
0x5f: {  	_ =	shalt  }
0x60: {  	_ =	shalt  }
0x61: {  	_ =	shalt  }
0x62: {  	_ =	shalt  }
0x63: {  	_ =	shalt  }
0x64: {  	_ =	shalt  }
0x65: {  	_ =	shalt  }
0x66: {  	_ =	shalt  }
0x67: {  	_ =	shalt  }
0x68: {  	_ =	shalt  }
0x69: {  	_ =	shalt  }
0x6a: {  	_ =	shalt  }
0x6b: {  	_ =	shalt  }
0x6c: {  	_ =	shalt  }
0x6d: {  	_ =	shalt  }
0x6e: {  	_ =	shalt  }
0x6f: {  	_ =	shalt  }
0x70: {  	_ =	shalt  }
0x71: {  	_ =	shalt  }
0x72: {  	_ =	shalt  }
0x73: {  	_ =	shalt  }
0x74: {  	_ =	shalt  }
0x75: {  	_ =	shalt  }
0x76: {  	_ =	shalt  }
0x77: {  	_ =	shalt  }
0x78: {  	_ =	shalt  }
0x79: {  	_ =	shalt  }
0x7a: {  	_ =	shalt  }
0x7b: {  	_ =	shalt  }
0x7c: {  	_ =	shalt  }
0x7d: {  	_ =	shalt  }
0x7e: {  	_ =	shalt  }
0x7f: {  	_ =	shalt  }
0x80: {  	_ =	shalt  }
0x81: {  	_ =	shalt  }
0x82: {  	_ =	shalt  }
0x83: {  	_ =	shalt  }
0x84: {  	_ =	shalt  }
0x85: {  	_ =	shalt  }
0x86: {  	_ =	shalt  }
0x87: {  	_ =	shalt  }
.Lfunc_end0:
.L_simem_size_0:
called_computation_lowered:
.L_overlay_start_0:
0x88: {  	s2 =	sld [smem:$0x3FD9]  }
0x89: {  	s3 =	sld [smem:$0x3FFE];
	_ =	sdelay $0x1  }
0x8a: {  	s1 =	srdreg.scid  }
0x8b: {  	s0 =	sand.u32 $0x1, s1  }
0x8c: {  	s14 =	sshll.u32 s0, $0xA;
	s2 =	sadd.s32 s3, s2  }
0x8d: {  	s2 =	sadd.s32 s2, s14  }
0x8e: {  	[smem:$0x3FC6] =	sst s2  }
0x8f: {  	_ = 	snop  }
0x90: {  	s2 =	sld [smem:$0x3FD0];
	_ =	sdelay $0x2  }
0x91: {  	s15 =	simm.s32 $0xA;
	s4 =	simm.s32 $0x10  }
0x92: {  	[smem:s4], [sflag:s15] =	dma.local [hbm:s2], $0x1  }
0x93: {  	_ =	swait.eq [sflag:s15], $0x1  }
0x94: {  	[sflag:s15] =	ssyncset.done $0x0  }
0x95: {  	[sflag:s15] =	ssyncadd.s32 $0xFFFFFFFF  }
0x96: {  	s16 =	sld [smem:$0x11];
	(tm) =	ssettm $0x1  }
0x97: {  	s17 =	sld [smem:$0x3FFB];
	_ =	sdelay $0x3  }
0x98: {  	_ =	strace s17  }
0x99: {  	s3 =	sld [smem:$0x3FFC];
	_ =	sdelay $0x3  }
0x9a: {  	_ =	strace s3  }
0x9b: {  	s3 =	sld [smem:$0x3FFD];
	_ =	sdelay $0x3  }
0x9c: {  	_ =	strace s3  }
0x9d: {  	_ =	strace $0x8FFFFFFF  }
0x9e: {  	s18 =	sld [smem:$0x3FDB];
	_ =	sdelay $0x1  }
0x9f: {  	s19 =	simm.s32 $_scs_section_size  }
0xa0: {  	s5 =	simm.s32 $_size__tile_overlayer_lowered;
	s6 =	simm.s32 $_tile_overlayer_lowered  }
0xa1: {  	s22 =	simm.s32 $0x1BFF;
	s21 =	sshll.u32 s6, $0x1;
	s3 =	sadd.s32 s19, s18  }
0xa2: {  	s7 =	simm.s32 $0x0;
	s20 =	sshll.u32 s5, $0x1;
	s5 =	sadd.s32 s21, s3  }
0xa3: {  	[timem:s7], [sflag:s22] =	dma.local [hbm:s5], s20  }
0xa4: {  	_ =	swait.ge [sflag:s22], s20  }
0xa5: {  	s4 =	ssub.s32 $0x0, s20;
	[sflag:s22] =	ssyncset.done $0x0  }
0xa6: {  	[sflag:s22] =	ssyncadd.s32 s4;
	_ =	sdelay $0x1  }
0xa7: {  	s23 =	simm.s32 $0x1B8B  }
0xa8: {  	_ =	swait.ge [sflag:s23], $0x1  }
0xa9: {  	[sflag:s23] =	ssyncset.done $0x0  }
0xaa: {  	s25 =	simm.s32 $0x1B8E;
	s24 =	sld [smem:$0x3FFE];
	[sflag:s23] =	ssyncadd.s32 $0xFFFFFFFF  }
0xab: {  	s26 =	simm.s32 $execute0_lowered;
	[smem:$0x3FD2] =	sst s25  }
0xac: {  	s5 =	sshll.u32 s26, $0x1;
	_ =	strace $0x80000046;
	[dreg:$0x1] =	wrdreg $0xFFFFFFFF  }
0xad: {  	s28 =	simm.s32 $_size_execute0_lowered;
	s3 =	sadd.s32 s3, s5;
	[dreg:$0x0] =	wrdreg $0x0  }
0xae: {  	s5 =	sshll.u32 s28, $0x1;
	[dreg:$0x2] =	wrdreg s3  }
0xaf: {  	[dreg:$0x3] =	wrdreg s5  }
0xb0: {  	[dreg:$0x4] =	wrdreg $0xC0  }
0xb1: {  	_ =	task [dreg:s7], $0x5FFFF  }
0xb2: {  	[dreg:$0x1] =	wrdreg $0xFFFFFFFF  }
0xb3: {  	[dreg:$0x0] =	wrdreg $0x60  }
0xb4: {  	[dreg:$0x2] =	wrdreg s24  }
0xb5: {  	[dreg:$0x3] =	wrdreg s16  }
0xb6: {  	[dreg:$0x4] =	wrdreg $0x9  }
0xb7: {  	_ =	task.clear_ibuf [dreg:s7], $0x5FFFF;
	_ =	strace $0x90000046  }
0xb8: {  	s29 =	simm.s32 $0x9;
	_ =	strace $0x80000048  }
0xb9: {  	_ =	swait.ge [sflag:s29], $0x1  }
0xba: {  	[sflag:s29] =	ssyncadd.s32 $0xFFFFFFFF  }
0xbb: {  	_ =	strace $0x90000048  }
0xbc: {  	_ =	sfence  }
0xbd: {  	s30 =	sld [smem:$0x0];
	_ =	sdelay $0x2  }
0xbe: {  	s31 =	sshll.u32 s1, $0xD;
	s1 =	sshrl.u32 s1, $0x2  }
0xbf: {  	s3 =	sand.u32 $0x4000, s31;
	s1 =	sadd.s32 s1, s30  }
0xc0: {  	s0 =	sor.u32 s3, s0;
	s1 =	sshll.u32 s1, $0x11  }
0xc1: {  	s0 =	sor.u32 s1, s0  }
0xc2: {  	s0 =	sadd.s32 $0x8F2B, s0  }
0xc3: {  	[sflag:s0] =	ssyncadd.remote.s32 $0x1  }
0xc4: {  	_ =	sfence.sel $0xFFFF  }
0xc5: {  	[dreg:$0x0] =	wrdreg $0xFFFFFFFF;
	(pc) =	sbr.abs _section_cstart, $3  }
0xc6: {  	[dreg:$0x1] =	wrdreg $0xFFFFFFFF  }
0xc7: {  	_ =	task.clear_ibuf [dreg:s7], $0x2FFFF;
	_ =	strace $0x9FFFFFFF  }
0xc8: {  	(tm) =	ssettm $0x7FFFFFFF  }
0xc9: {  	_ =	shalt  }
tec
execute0_lowered:
.L_overlay_start_1:
0x0: {  	(tag) =	ssettag $0x1  }
0x1: {  	s3 =	rddreg [dreg:$0x0]  }
0x2: {  	s7 =	rddreg [dreg:$0x1]  }
0x3: {  	s0 =	rddreg [dreg:$0x2];
	s2 =	simm.s32 $0x0  }
0x4: {  	s4 =	srdreg.scid;
	s1 =	stileid.u32;
	s12 =	simm.s32 $0x11080  }
0x5: {  	s13 =	simm.s32 $0x0;
	[smem:$0x7FF] =	sst s2;
	s4 =	sand.u32 $0x1, s4  }
0x6: {  	s5 =	sshll.u32 s1, $0x1;
	s6 =	sadd.s32 $0x1000, s3;
	s9 =	sadd.s32 $0x81000, s3  }
0x7: {  	_ =	strace $0x80000047;
	s8 =	ssub.s32 $0x2, s4;
	s4 =	sor.u32 s4, s5  }
0x8: {  	s29 =	sshrl.u32 s8, $0x1;
	s5 =	sshll.u32 s4, $0xA;
	s30 =	sshll.u32 s4, $0xE  }
0x9: {  	s10 =	ssub.s32 s8, s29;
	s31 =	sor.u32 $0x200, s5;
	s3 =	sadd.s32 s6, s30  }
0xa: {  	s4 =	sadd.s32 s7, s5;
	s5 =	sadd.s32 s9, s5;
	s11 =	sshll.u32 s31, $0x4  }
0xb: {  	v0 =	vlaneseq.u32;
	vm0 =	vmmov $0xff;
	s7 =	sadd.s32 s7, s31;
	s8 =	sadd.s32 s9, s31;
	s9 =	smax.u32 s10, $0x1  }
0xc: {  	v1 =	vor.u32 $0x10, v0;
	v2 =	vor.u32 $0x20, v0;
	v3 =	vor.u32 $0x30, v0;
	s10 =	simm.s32 $0x1;
	s6 =	sadd.s32 s6, s11;
	s11 =	simm.s32 $0x10000  }
.LBB2_1:
0xd: {  	[tilespmem:s2], [sflag:$0x1] =	stream.linear.gather [hbm4b:s3+s2], $0x10000, $0x38;
	[tilespmem:$0x12100] =	vst v63  }
0xe: {  	_ =	swait.ge [sflag:s10], $0x10000  }
0xf: {  	[sflag:s10] =	ssyncset.done $0x0  }
0x10: {  	s14 =	simm.s32 $0x20;
	[sflag:s10] =	ssyncadd.s32 $0xFFFF0000  }
0x11: {  	v4 =	vld [tilespmem:s14+$0xFFFFFFE0]  }
0x12: {  	v5 =	vld [tilespmem:s14+$0xFFFFFFF0]  }
0x13: {  	v6 =	vld [tilespmem:s14+$0x0]  }
0x14: {  	v7 =	vld [tilespmem:s14+$0x10];
	_ =	sdelay $0x1  }
0x15: {  	(xrf1) =	vsort.dscd.msk.f32 $0xffff, v4, v0  }
0x16: {  	(xrf1) =	vsort.ascd.msk.f32 $0xffff, v5, v1  }
0x17: {  	(xrf1) =	vsort.dscd.msk.f32 $0xffff, v6, v2  }
0x18: {  	s22 =	simm.s32 $0xA0;
	(xrf1) =	vsort.ascd.msk.f32 $0xffff, v7, v3  }
0x19: {  	v4 =	vld [tilespmem:s22+$0xFFFFFFE0]  }
0x1a: {  	v5 =	vld [tilespmem:s22+$0xFFFFFFF0]  }
0x1b: {  	v6 =	vld [tilespmem:s22+$0x0]  }
0x1c: {  	v7 =	vld [tilespmem:s22+$0x10];
	_ =	sdelay $0x1  }
0x1d: {  	(xrf1) =	vsort.dscd.msk.f32 $0xffff, v4, v0  }
0x1e: {  	(xrf1) =	vsort.ascd.msk.f32 $0xffff, v5, v1  }
0x1f: {  	s23 =	simm.s32 $0x120;
	(xrf1) =	vsort.dscd.msk.f32 $0xffff, v6, v2  }
0x20: {  	v4 =	vld [tilespmem:s23+$0xFFFFFFE0];
	(xrf1) =	vsort.ascd.msk.f32 $0xffff, v7, v3;
	_ =	sdelay $0x1  }
0x21: {  	v5, v6, _ =	vpop (xrf1)  }
0x22: {  	v7, v8, _ =	vpop (xrf1)  }
0x23: {  	v10, v11, _ =	vpop (xrf1)  }
0x24: {  	v9 =	vld [tilespmem:s23+$0xFFFFFFF0];
	(xrf1) =	vsort.dscd.msk.f32 $0xffff, v4, v0;
	v5 =	vsel vm0, v5, v7;
	v6 =	vsel vm0, v6, v8;
	v7, v8, _ =	vpop (xrf1)  }
0x25: {  	v4 =	vld [tilespmem:s23+$0x0];
	(xrf1) =	vsort.dscd.msk.f32 $0xffff, v5, v6;
	v7 =	vsel vm0, v10, v7;
	v8 =	vsel vm0, v11, v8  }
0x26: {  	v12 =	vld [tilespmem:s23+$0x10];
	(xrf1) =	vsort.ascd.msk.f32 $0xffff, v7, v8;
	_ =	sdelay $0x1  }
0x27: {  	s24 =	simm.s32 $0x1A0  }
0x28: {  	v5 =	vld [tilespmem:s24+$0xFFFFFFE0];
	(xrf1) =	vsort.ascd.msk.f32 $0xffff, v9, v1  }
0x29: {  	(xrf1) =	vsort.dscd.msk.f32 $0xffff, v4, v2;
	v4, v6, _ =	vpop (xrf1)  }
0x2a: {  	(xrf1) =	vsort.ascd.msk.f32 $0xffff, v12, v3;
	v7, v8, _ =	vpop (xrf1)  }
0x2b: {  	v10, v11, _ =	vpop (xrf1)  }
0x2c: {  	v9 =	vld [tilespmem:s24+$0xFFFFFFF0];
	v4 =	vsel vm0, v4, v7;
	v6 =	vsel vm0, v6, v8;
	v7, v8, _ =	vpop (xrf1)  }
0x2d: {  	(xrf1) =	vsort.dscd.msk.f32 $0xffff, v5, v0;
	v5 =	vld [tilespmem:s24+$0x0];
	v7 =	vsel vm0, v10, v7  }
0x2e: {  	s25 =	simm.s32 $0x220;
	v12 =	vld [tilespmem:s24+$0x10];
	v8 =	vsel vm0, v11, v8  }
0x2f: {  	(xrf1) =	vsort.dscd.msk.f32 $0xffff, v4, v6;
	v4 =	vld [tilespmem:s25+$0xFFFFFFE0]  }
0x30: {  	(xrf1) =	vsort.ascd.msk.f32 $0xffff, v7, v8  }
0x31: {  	(xrf1) =	vsort.ascd.msk.f32 $0xffff, v9, v1;
	v6, v7, _ =	vpop (xrf1)  }
0x32: {  	(xrf1) =	vsort.dscd.msk.f32 $0xffff, v5, v2;
	v5, v8, _ =	vpop (xrf1)  }
0x33: {  	(xrf1) =	vsort.ascd.msk.f32 $0xffff, v12, v3;
	v9, v10, _ =	vpop (xrf1)  }
0x34: {  	(xrf1) =	vsort.dscd.msk.f32 $0xffff, v4, v0;
	v4 =	vsel vm0, v5, v9;
	v5 =	vsel vm0, v8, v10;
	_ =	sdelay $0x1  }
0x35: {  	v8, v9, _ =	vpop (xrf1)  }
0x36: {  	(xrf1) =	vsort.dscd.msk.f32 $0xffff, v4, v5;
	v4 =	vld [tilespmem:s25+$0xFFFFFFF0];
	v5, v10, _ =	vpop (xrf1)  }
0x37: {  	v11 =	vld [tilespmem:s25+$0x0];
	v6 =	vsel vm0, v6, v8;
	v7 =	vsel vm0, v7, v9;
	v8, v9, _ =	vpop (xrf1)  }
0x38: {  	s26 =	simm.s32 $0x2A0;
	v12 =	vld [tilespmem:s25+$0x10];
	v5 =	vsel vm0, v5, v8;
	v8 =	vsel vm0, v10, v9  }
0x39: {  	(xrf1) =	vsort.dscd.msk.f32 $0xffff, v6, v7;
	v6 =	vld [tilespmem:s26+$0xFFFFFFE0]  }
0x3a: {  	(xrf1) =	vsort.ascd.msk.f32 $0xffff, v5, v8  }
0x3b: {  	(xrf1) =	vsort.ascd.msk.f32 $0xffff, v4, v1;
	v5, v7, _ =	vpop (xrf1)  }
0x3c: {  	(xrf1) =	vsort.dscd.msk.f32 $0xffff, v11, v2;
	v4, v8, _ =	vpop (xrf1)  }
0x3d: {  	(xrf1) =	vsort.ascd.msk.f32 $0xffff, v12, v3;
	v9, v10, _ =	vpop (xrf1)  }
0x3e: {  	(xrf1) =	vsort.dscd.msk.f32 $0xffff, v6, v0;
	v6 =	vsel vm0, v8, v10  }
0x3f: {  	v4 =	vsel vm0, v4, v9;
	_ =	sdelay $0x1  }
0x40: {  	v8, v9, _ =	vpop (xrf1)  }
0x41: {  	(xrf1) =	vsort.dscd.msk.f32 $0xffff, v4, v6;
	v4, v6, _ =	vpop (xrf1)  }
0x42: {  	v5 =	vsel vm0, v5, v8;
	v7 =	vsel vm0, v7, v9;
	v8, v9, _ =	vpop (xrf1)  }
0x43: {  	v4 =	vsel vm0, v4, v8;
	_ =	sdelay $0x1  }
0x44: {  	v10 =	vld [tilespmem:s26+$0xFFFFFFF0]  }
0x45: {  	(xrf1) =	vsort.dscd.msk.f32 $0xffff, v5, v7;
	v13, v14, _ =	vpop (xrf1);
	v6 =	vsel vm0, v6, v9  }
0x46: {  	v11 =	vld [tilespmem:s26+$0x0];
	(xrf1) =	vsort.ascd.msk.f32 $0xffff, v4, v6;
	v5, v4, _ =	vpop (xrf1)  }
0x47: {  	s28 =	simm.s32 $0x320;
	v12 =	vld [tilespmem:s26+$0x10];
	v6 =	vnsel vm0, $0x0, v5  }
0x48: {  	v7 =	vld [tilespmem:s28+$0xFFFFFFE0]  }
0x49: {  	(xrf1) =	vsort.ascd.msk.f32 $0xffff, v10, v1  }
0x4a: {  	(xrf2) =	vadd.scan.msk.f32 $0xffff, v6;
	v6, v8, _ =	vpop (xrf1)  }
0x4b: {  	(xrf1) =	vsort.dscd.msk.f32 $0xffff, v11, v2;
	v9, v10, _ =	vpop (xrf1)  }
0x4c: {  	(xrf1) =	vsort.ascd.msk.f32 $0xffff, v12, v3  }
0x4d: {  	(xrf1) =	vsort.dscd.msk.f32 $0xffff, v7, v0;
	v6 =	vsel vm0, v6, v9;
	v7 =	vsel vm0, v8, v10;
	v8, v9, _ =	vpop (xrf1)  }
0x4e: {  	v10, v11, _ =	vpop (xrf1)  }
0x4f: {  	v12, v15, _ =	vpop (xrf1)  }
0x50: {  	v17, v18, _ =	vpop (xrf1)  }
0x51: {  	v16 =	vld [tilespmem:s28+$0xFFFFFFF0];
	(xrf1) =	vsort.dscd.msk.f32 $0xffff, v6, v7;
	v8 =	vsel vm0, v13, v8;
	v9 =	vsel vm0, v14, v9;
	v7, v6, _ =	vpop (xrf1)  }
0x52: {  	v19 =	vld [tilespmem:s28+$0x0];
	(xrf1) =	vsort.dscd.msk.f32 $0xffff, v8, v9;
	v9 =	vsel vm0, v10, v12;
	v10 =	vsel vm0, v11, v15;
	v8 =	vnsel vm0, $0x0, v7  }
0x53: {  	s29 =	simm.s32 $0x3A0;
	v13 =	vld [tilespmem:s28+$0x10]  }
0x54: {  	v11 =	vld [tilespmem:s29+$0xFFFFFFE0];
	(xrf1) =	vsort.ascd.msk.f32 $0xffff, v9, v10  }
0x55: {  	(xrf2) =	vadd.scan.msk.f32 $0xffff, v8;
	v8, _, _ =	vpop (xrf2)  }
0x56: {  	(xrf1) =	vsort.ascd.msk.f32 $0xffff, v16, v1;
	v9, v10, _ =	vpop (xrf1)  }
0x57: {  	(xrf1) =	vsort.dscd.msk.f32 $0xffff, v19, v2;
	v12, v14, _ =	vpop (xrf1)  }
0x58: {  	(xrf1) =	vsort.ascd.msk.f32 $0xffff, v13, v3;
	v13, v15, _ =	vpop (xrf1)  }
0x59: {  	(xrf1) =	vsort.dscd.msk.f32 $0xffff, v11, v0;
	v9 =	vsel vm0, v9, v12;
	v10 =	vsel vm0, v10, v14;
	v11, v12, _ =	vpop (xrf1)  }
0x5a: {  	(xrf1) =	vsort.dscd.msk.f32 $0xffff, v9, v10;
	v9 =	vsel vm0, v17, v13;
	v13 =	vsel vm0, v18, v15;
	v14, v15, _ =	vpop (xrf1)  }
0x5b: {  	(v2sf) =	vpush v8, $0xF;
	v8 =	vsel vm0, v11, v14;
	_ =	sdelay $0x1  }
0x5c: {  	v16 =	vld [tilespmem:s29+$0xFFFFFFF0]  }
0x5d: {  	(xrf1) =	vsort.dscd.msk.f32 $0xffff, v9, v13;
	v18, v19, _ =	vpop (xrf1);
	v11 =	vsel vm0, v12, v15  }
0x5e: {  	v10 =	vld [tilespmem:s29+$0x0];
	(xrf1) =	vsort.ascd.msk.f32 $0xffff, v8, v11;
	v9, v8, _ =	vpop (xrf1)  }
0x5f: {  	s30 =	simm.s32 $0x420;
	v17 =	vld [tilespmem:s29+$0x10];
	v11 =	vnsel vm0, $0x0, v9  }
0x60: {  	v12 =	vld [tilespmem:s30+$0xFFFFFFE0]  }
0x61: {  	(xrf1) =	vsort.ascd.msk.f32 $0xffff, v16, v1  }
0x62: {  	(xrf2) =	vadd.scan.msk.f32 $0xffff, v11;
	v11, _, _ =	vpop (xrf2)  }
0x63: {  	(xrf1) =	vsort.dscd.msk.f32 $0xffff, v10, v2  }
0x64: {  	(xrf1) =	vsort.ascd.msk.f32 $0xffff, v17, v3;
	(v2sf) =	vpush v11, $0xF;
	v10, v11, _ =	vpop (xrf1)  }
0x65: {  	(xrf1) =	vsort.dscd.msk.f32 $0xffff, v12, v0;
	v12, v13, _ =	vpop (xrf1)  }
0x66: {  	v14, v15, _ =	vpop (xrf1);
	v10 =	vsel vm0, v10, v12;
	v11 =	vsel vm0, v11, v13  }
0x67: {  	(xrf1) =	vsort.dscd.msk.f32 $0xffff, v10, v11;
	v10 =	vsel vm0, v18, v14  }
0x68: {  	v16 =	vld [tilespmem:s30+$0xFFFFFFF0];
	v12, v13, _ =	vpop (xrf1);
	v11 =	vsel vm0, v19, v15  }
0x69: {  	v17 =	vld [tilespmem:s30+$0x0];
	v14, v15, _ =	vpop (xrf1)  }
0x6a: {  	v19, v20, _ =	vpop (xrf1)  }
0x6b: {  	s23 =	simm.s32 $0x4A0;
	v18 =	vld [tilespmem:s30+$0x10];
	(xrf1) =	vsort.dscd.msk.f32 $0xffff, v10, v11;
	v12 =	vsel vm0, v12, v14;
	v13 =	vsel vm0, v13, v15;
	v11, v10, _ =	vpop (xrf1)  }
0x6c: {  	s31 =	spop (v2sf);
	v14 =	vld [tilespmem:s23+$0xFFFFFFE0];
	(xrf1) =	vsort.ascd.msk.f32 $0xffff, v12, v13;
	v12 =	vnsel vm0, $0x0, v11  }
0x6d: {  	s15 =	sadd.f32 $9.999999970e-07, s31;
	(xrf1) =	vsort.ascd.msk.f32 $0xffff, v16, v1  }
0x6e: {  	v15, _, _ =	vpop (xrf2);
	(xrf1) =	vsort.dscd.msk.f32 $0xffff, v17, v2  }
0x6f: {  	v22 =	vmov s15;
	(xrf2) =	vadd.scan.msk.f32 $0xffff, v12;
	v12, v13, _ =	vpop (xrf1)  }
0x70: {  	(erf) = vrcp.f32 v22;
	(xrf1) =	vsort.ascd.msk.f32 $0xffff, v18, v3;
	v16, v17, _ =	vpop (xrf1)  }
0x71: {  	(v2sf) =	vpush v15, $0xF;
	(xrf1) =	vsort.dscd.msk.f32 $0xffff, v14, v0;
	v18, v21, _ =	vpop (xrf1);
	v14 =	vsel vm0, v12, v16;
	v13 =	vsel vm0, v13, v17  }
0x72: {  	(xrf1) =	vsort.dscd.msk.f32 $0xffff, v14, v13;
	v19 =	vsel vm0, v19, v18;
	v20 =	vsel vm0, v20, v21  }
0x73: {  	s21 =	simm.s32 $0x40;
	s20 =	simm.s32 $0x60;
	(xrf1) =	vsort.dscd.msk.f32 $0xffff, v19, v20  }
0x74: {  	s18 =	simm.s32 $0x80;
	s19 =	simm.s32 $0xA0;
	s16 =	simm.s32 $0xC0;
	v12 =	vld [tilespmem:s23+$0xFFFFFFF0]  }
0x75: {  	s17 =	simm.s32 $0xE0;
	s14 =	simm.s32 $0x100;
	s22 =	simm.s32 $0x20;
	v17, v23, _ =	vpop (xrf1)  }
0x76: {  	s25 =	simm.s32 $0x520;
	s26 =	simm.s32 $0x140;
	v13 =	vld [tilespmem:s23+$0x0];
	s24 =	spop (v2sf);
	v18, v63, _ =	vpop (xrf1)  }
0x77: {  	s15 =	simm.s32 $0x120;
	v16 =	vld [tilespmem:s23+$0x10];
	s23 =	simm.s32 $0x0;
	s24 =	sadd.f32 $9.999999970e-07, s24;
	v17 =	vsel vm0, v17, v18;
	v18 =	vsel vm0, v23, v63;
	v15, v14, _ =	vpop (xrf1)  }
.LBB2_2:
0x78: {  	v19 =	vld [tilespmem:s25+$0xFFFFFFE0];
	p0 =	sne.s32 s26, $0x3FE0;
	(xrf1) =	vsort.ascd.msk.f32 $0xffff, v17, v18;
	v17, v18, _ =	vpop (xrf1)  }
0x79: {  	(xrf1) =	vsort.ascd.msk.f32 $0xffff, v12, v1;
	v22 =	vnsel vm0, $0x0, v17;
	v20 =	vmov s24;
	v21 =	vpop (erf)  }
0x7a: {  	(xrf2) =	vadd.scan.msk.f32 $0xffff, v22;
	v12, _, _ =	vpop (xrf2);
	(erf) = vrcp.f32 v20;
	v20 =	vmul.f32 v21, v5;
	v5 =	vmov v7  }
0x7b: {  	s24 =	sshra.s32 s23, $0x2;
	s23 =	smov.u32 s22;
	s22 =	smov.u32 s21;
	v7 =	vmov v9;
	v9 =	vmov v11;
	(xrf1) =	vsort.dscd.msk.f32 $0xffff, v13, v2;
	v13, v21, _ =	vpop (xrf1);
	(v2sf) =	vpush v12, $0xF  }
0x7c: {  	s21 =	smov.u32 s20;
	s20 =	smov.u32 s18;
	s18 =	smov.u32 s19;
	v11 =	vmov v17;
	(xrf1) =	vsort.ascd.msk.f32 $0xffff, v16, v3;
	v12, v16, _ =	vpop (xrf1);
	[tilespmem:s24+$0x10000] =	vst.msk $0xff, v20  }
.Ltmp0:
0x7d: {  	s19 =	smov.u32 s16;
	s16 =	smov.u32 s17;
	(xrf1) =	vsort.dscd.msk.f32 $0xffff, v19, v0;
	v17, v19, _ =	vpop (xrf1);
	v13 =	vsel vm0, v13, v12;
	v16 =	vsel vm0, v21, v16;
	[tilespmem:s24+$0x11080] =	vst.msk $0xff, v4;
	(pc) =	sbr.rel @p0 .LBB2_2-.Ltmp0, $4  }
0x7e: {  	s17 =	smov.u32 s14;
	s14 =	smov.u32 s15;
	s15 =	smov.u32 s26;
	v4 =	vmovc v6;
	v6 =	vmov v8;
	v8 =	vmov v10;
	v10 =	vmov v18;
	v12 =	vld [tilespmem:s25+$0xFFFFFFF0];
	(xrf1) =	vsort.dscd.msk.f32 $0xffff, v13, v16  }
0x7f: {  	v18, v20, _ =	vpop (xrf1)  }
0x80: {  	v21 =	vsel vm0, v15, v17;
	v19 =	vsel vm0, v14, v19;
	v13 =	vld [tilespmem:s25+$0x0];
	v17, v22, _ =	vpop (xrf1);
	s24 =	spop (v2sf)  }
0x81: {  	s26 =	sadd.s32 $0x20, s26;
	v16 =	vld [tilespmem:s25+$0x10];
	s25 =	sadd.s32 $0x80, s25;
	v15, v14, _ =	vpop (xrf1);
	v17 =	vsel vm0, v18, v17;
	v18 =	vsel vm0, v20, v22;
	(xrf1) =	vsort.dscd.msk.f32 $0xffff, v21, v19;
	s24 =	sadd.f32 $9.999999970e-07, s24  }
0x82: {  	(xrf1) =	vsort.ascd.msk.f32 $0xffff, v17, v18;
	_ =	sdelay $0x2  }
0x83: {  	(xrf1) =	vsort.ascd.msk.f32 $0xffff, v12, v1  }
0x84: {  	(xrf1) =	vsort.dscd.msk.f32 $0xffff, v13, v2  }
0x85: {  	(xrf1) =	vsort.ascd.msk.f32 $0xffff, v16, v3;
	v16, v12, _ =	vpop (xrf1)  }
0x86: {  	v17, v18, _ =	vpop (xrf1)  }
0x87: {  	v19, v20, _ =	vpop (xrf1)  }
0x88: {  	v21, v22, _ =	vpop (xrf1)  }
0x89: {  	v23, v24, _ =	vpop (xrf1)  }
0x8a: {  	v18 =	vsel vm0, v18, v20;
	v25, v26, _ =	vpop (xrf1)  }
0x8b: {  	v17 =	vsel vm0, v17, v19;
	v27, v28, _ =	vpop (xrf1)  }
0x8c: {  	v29, v13, _ =	vpop (xrf1)  }
0x8d: {  	v15 =	vsel vm0, v15, v21;
	v19, v20, _ =	vpop (xrf1)  }
0x8e: {  	v14 =	vsel vm0, v14, v22;
	(xrf1) =	vsort.dscd.msk.f32 $0xffff, v17, v18;
	v54 =	vsel vm0, v23, v25;
	v17, v18, _ =	vpop (xrf1)  }
0x8f: {  	v55 =	vsel vm0, v24, v26;
	(xrf1) =	vsort.dscd.msk.f32 $0xffff, v15, v14;
	v18 =	vsel vm0, v20, v18  }
0x90: {  	(xrf1) =	vsort.ascd.msk.f32 $0xffff, v54, v55;
	v17 =	vsel vm0, v19, v17  }
0x91: {  	v14, v15, _ =	vpop (xrf1)  }
0x92: {  	v19, v20, _ =	vpop (xrf1)  }
0x93: {  	(xrf1) =	vsort.dscd.msk.f32 $0xffff, v17, v18;
	v14 =	vsel vm0, v27, v14;
	v15 =	vsel vm0, v28, v15;
	v17, v18, _ =	vpop (xrf1)  }
0x94: {  	(xrf1) =	vsort.dscd.msk.f32 $0xffff, v14, v15;
	v17 =	vsel vm0, v19, v17;
	v18 =	vsel vm0, v20, v18  }
0x95: {  	(xrf1) =	vsort.ascd.msk.f32 $0xffff, v17, v18;
	_ =	sdelay $0x6  }
0x96: {  	v14, v15, _ =	vpop (xrf1)  }
0x97: {  	v17, v18, _ =	vpop (xrf1)  }
0x98: {  	v19, v20, _ =	vpop (xrf1)  }
0x99: {  	v18 =	vsel vm0, v18, v20  }
0x9a: {  	v17 =	vsel vm0, v17, v19  }
0x9b: {  	(xrf1) =	vsort.dscd.msk.f32 $0xffff, v17, v18;
	v21, v22, _ =	vpop (xrf1)  }
0x9c: {  	v19, v20, _ =	vpop (xrf1)  }
0x9d: {  	v17, v18, _ =	vpop (xrf1)  }
0x9e: {  	v17 =	vsel vm0, v19, v17;
	v18 =	vsel vm0, v20, v18  }
0x9f: {  	(xrf1) =	vsort.dscd.msk.f32 $0xffff, v17, v18;
	_ =	sdelay $0x1  }
0xa0: {  	v17 =	vnsel vm0, $0x0, v16  }
0xa1: {  	(xrf2) =	vadd.scan.msk.f32 $0xffff, v17;
	_ =	sdelay $0x1  }
0xa2: {  	v17 =	vnsel vm0, $0x0, v29  }
0xa3: {  	(xrf2) =	vadd.scan.msk.f32 $0xffff, v17;
	v17 =	vnsel vm0, $0x0, v14  }
0xa4: {  	(xrf2) =	vadd.scan.msk.f32 $0xffff, v17;
	v17 =	vnsel vm0, $0x0, v21;
	_ =	sdelay $0x2  }
0xa5: {  	(xrf2) =	vadd.scan.msk.f32 $0xffff, v17;
	v17, v18, _ =	vpop (xrf1)  }
0xa6: {  	v20 =	vnsel vm0, $0x0, v17  }
0xa7: {  	v19, _, _ =	vpop (xrf2)  }
0xa8: {  	v57, _, _ =	vpop (xrf2)  }
0xa9: {  	(v2sf) =	vpush v19, $0xF;
	(xrf2) =	vadd.scan.msk.f32 $0xffff, v20;
	v20, v56, _ =	vpop (xrf1)  }
0xaa: {  	(v2sf) =	vpush v57, $0xF;
	v19 =	vnsel vm0, $0x0, v20  }
0xab: {  	(xrf2) =	vadd.scan.msk.f32 $0xffff, v19;
	_ =	sdelay $0x1  }
0xac: {  	v19, _, _ =	vpop (xrf2)  }
0xad: {  	(v2sf) =	vpush v19, $0xF  }
0xae: {  	v19, _, _ =	vpop (xrf2)  }
0xaf: {  	(v2sf) =	vpush v19, $0xF  }
0xb0: {  	v19, _, _ =	vpop (xrf2)  }
0xb1: {  	(v2sf) =	vpush v19, $0xF  }
0xb2: {  	v19, _, _ =	vpop (xrf2)  }
0xb3: {  	(v2sf) =	vpush v19, $0xF  }
0xb4: {  	v19, _, _ =	vpop (xrf2)  }
0xb5: {  	(v2sf) =	vpush v19, $0xF  }
0xb6: {  	s25 =	spop (v2sf);
	v19 =	vmov s24  }
0xb7: {  	s28 =	sadd.f32 $9.999999970e-07, s25;
	s29 =	spop (v2sf);
	(erf) = vrcp.f32 v19  }
0xb8: {  	s30 =	sadd.f32 $9.999999970e-07, s29;
	s31 =	spop (v2sf)  }
0xb9: {  	v19 =	vmov s28;
	s25 =	sadd.f32 $9.999999970e-07, s31  }
0xba: {  	(erf) = vrcp.f32 v19;
	v19 =	vmov s30  }
0xbb: {  	(erf) = vrcp.f32 v19;
	v19 =	vmov s25  }
0xbc: {  	s26 =	spop (v2sf)  }
0xbd: {  	s28 =	sadd.f32 $9.999999970e-07, s26  }
0xbe: {  	(erf) = vrcp.f32 v19;
	v19 =	vpop (erf);
	s29 =	spop (v2sf)  }
0xbf: {  	v5 =	vmul.f32 v19, v5;
	s30 =	sadd.f32 $9.999999970e-07, s29;
	v58 =	vmov s28  }
0xc0: {  	s23 =	sshra.s32 s23, $0x2;
	s31 =	spop (v2sf);
	v19 =	vpop (erf);
	(erf) = vrcp.f32 v58  }
0xc1: {  	[tilespmem:s23+$0x10000] =	vst.msk $0xff, v5;
	s25 =	sadd.f32 $9.999999970e-07, s31;
	v59 =	vmov s30;
	v5 =	vmul.f32 v19, v7  }
0xc2: {  	s22 =	sshra.s32 s22, $0x2;
	[tilespmem:s23+$0x11080] =	vst.msk $0xff, v4;
	s26 =	spop (v2sf);
	(erf) = vrcp.f32 v59  }
0xc3: {  	s21 =	sshra.s32 s21, $0x2;
	[tilespmem:s22+$0x11080] =	vst.msk $0xff, v6;
	v4 =	vpop (erf);
	s28 =	sadd.f32 $9.999999970e-07, s26;
	v7 =	vmov s25  }
0xc4: {  	[tilespmem:s21+$0x11080] =	vst.msk $0xff, v8;
	v4 =	vmul.f32 v4, v9;
	(erf) = vrcp.f32 v7;
	s29 =	spop (v2sf)  }
0xc5: {  	[tilespmem:s22+$0x10000] =	vst.msk $0xff, v5;
	v6 =	vmov s28;
	v5 =	vpop (erf);
	s30 =	sadd.f32 $9.999999970e-07, s29  }
0xc6: {  	s20 =	sshra.s32 s20, $0x2;
	[tilespmem:s21+$0x10000] =	vst.msk $0xff, v4;
	(erf) = vrcp.f32 v6;
	v4 =	vmul.f32 v5, v11  }
0xc7: {  	[tilespmem:s20+$0x11080] =	vst.msk $0xff, v10;
	v5 =	vpop (erf);
	v6 =	vmov s30  }
0xc8: {  	s18 =	sshra.s32 s18, $0x2;
	[tilespmem:s20+$0x10000] =	vst.msk $0xff, v4;
	v4 =	vmul.f32 v5, v16;
	(erf) = vrcp.f32 v6  }
0xc9: {  	[tilespmem:s18+$0x11080] =	vst.msk $0xff, v12;
	v5 =	vpop (erf)  }
0xca: {  	s16 =	sshra.s32 s16, $0x2;
	[tilespmem:s18+$0x10000] =	vst.msk $0xff, v4;
	v4 =	vmul.f32 v5, v29  }
0xcb: {  	[tilespmem:s16+$0x11080] =	vst.msk $0xff, v15;
	s31 =	sshra.s32 s19, $0x2;
	v5 =	vpop (erf)  }
0xcc: {  	s14 =	sshra.s32 s14, $0x2;
	[tilespmem:s31+$0x10000] =	vst.msk $0xff, v4;
	v4 =	vmul.f32 v5, v14  }
0xcd: {  	[tilespmem:s14+$0x11080] =	vst.msk $0xff, v18;
	v5 =	vpop (erf)  }
0xce: {  	[tilespmem:s16+$0x10000] =	vst.msk $0xff, v4;
	v4 =	vmul.f32 v5, v21  }
0xcf: {  	[tilespmem:s31+$0x11080] =	vst.msk $0xff, v13;
	s18 =	sshra.s32 s17, $0x2;
	v5 =	vpop (erf)  }
0xd0: {  	s19 =	sshra.s32 s15, $0x2;
	[tilespmem:s18+$0x10000] =	vst.msk $0xff, v4;
	v4 =	vmul.f32 v5, v17  }
0xd1: {  	[tilespmem:s19+$0x11080] =	vst.msk $0xff, v56;
	v5 =	vpop (erf)  }
0xd2: {  	[tilespmem:s14+$0x10000] =	vst.msk $0xff, v4;
	v4 =	vmul.f32 v5, v20  }
0xd3: {  	[tilespmem:s18+$0x11080] =	vst.msk $0xff, v22  }
0xd4: {  	s14 =	simm.s32 $0x0;
	[tilespmem:s19+$0x10000] =	vst.msk $0xff, v4  }
0xd5: {  	[hbm4b:s4+s14] =	stream.linear.scatter [tilespmem:s11], [sflag:$0x1], $0x1000, $0x38;
	[tilespmem:$0x12100] =	vst v63  }
0xd6: {  	_ =	swait.ge [sflag:s10], $0x1000  }
0xd7: {  	[sflag:s10] =	ssyncset.done $0x0  }
0xd8: {  	[sflag:s10] =	ssyncadd.s32 $0xFFFFF000  }
0xd9: {  	[hbm4b:s5+s14] =	stream.linear.scatter [tilespmem:s12], [sflag:$0x1], $0x1000, $0x38;
	[tilespmem:$0x12100] =	vst v63  }
0xda: {  	_ =	swait.ge [sflag:s10], $0x1000  }
0xdb: {  	[sflag:s10] =	ssyncset.done $0x0  }
0xdc: {  	[sflag:s10] =	ssyncadd.s32 $0xFFFFF000  }
0xdd: {  	[tilespmem:s14], [sflag:$0x1] =	stream.linear.gather [hbm4b:s6+s14], $0x10000, $0x38;
	[tilespmem:$0x12100] =	vst v63  }
0xde: {  	_ =	swait.ge [sflag:s10], $0x10000  }
0xdf: {  	[sflag:s10] =	ssyncset.done $0x0  }
0xe0: {  	s20 =	simm.s32 $0x20;
	[sflag:s10] =	ssyncadd.s32 $0xFFFF0000  }
0xe1: {  	v4 =	vld [tilespmem:s20+$0xFFFFFFE0]  }
0xe2: {  	v5 =	vld [tilespmem:s20+$0xFFFFFFF0]  }
0xe3: {  	v6 =	vld [tilespmem:s20+$0x0]  }
0xe4: {  	v7 =	vld [tilespmem:s20+$0x10];
	_ =	sdelay $0x1  }
0xe5: {  	(xrf1) =	vsort.dscd.msk.f32 $0xffff, v4, v0  }
0xe6: {  	(xrf1) =	vsort.ascd.msk.f32 $0xffff, v5, v1  }
0xe7: {  	(xrf1) =	vsort.dscd.msk.f32 $0xffff, v6, v2  }
0xe8: {  	s21 =	simm.s32 $0xA0;
	(xrf1) =	vsort.ascd.msk.f32 $0xffff, v7, v3  }
0xe9: {  	v4 =	vld [tilespmem:s21+$0xFFFFFFE0]  }
0xea: {  	v5 =	vld [tilespmem:s21+$0xFFFFFFF0]  }
0xeb: {  	v6 =	vld [tilespmem:s21+$0x0]  }
0xec: {  	v7 =	vld [tilespmem:s21+$0x10];
	_ =	sdelay $0x1  }
0xed: {  	(xrf1) =	vsort.dscd.msk.f32 $0xffff, v4, v0  }
0xee: {  	(xrf1) =	vsort.ascd.msk.f32 $0xffff, v5, v1  }
0xef: {  	s22 =	simm.s32 $0x120;
	(xrf1) =	vsort.dscd.msk.f32 $0xffff, v6, v2  }
0xf0: {  	v4 =	vld [tilespmem:s22+$0xFFFFFFE0];
	(xrf1) =	vsort.ascd.msk.f32 $0xffff, v7, v3;
	_ =	sdelay $0x1  }
0xf1: {  	v5, v6, _ =	vpop (xrf1)  }
0xf2: {  	v7, v8, _ =	vpop (xrf1)  }
0xf3: {  	v10, v11, _ =	vpop (xrf1)  }
0xf4: {  	v9 =	vld [tilespmem:s22+$0xFFFFFFF0];
	(xrf1) =	vsort.dscd.msk.f32 $0xffff, v4, v0;
	v5 =	vsel vm0, v5, v7;
	v6 =	vsel vm0, v6, v8;
	v7, v8, _ =	vpop (xrf1)  }
0xf5: {  	v4 =	vld [tilespmem:s22+$0x0];
	(xrf1) =	vsort.dscd.msk.f32 $0xffff, v5, v6;
	v7 =	vsel vm0, v10, v7;
	v8 =	vsel vm0, v11, v8  }
0xf6: {  	v12 =	vld [tilespmem:s22+$0x10];
	(xrf1) =	vsort.ascd.msk.f32 $0xffff, v7, v8;
	_ =	sdelay $0x1  }
0xf7: {  	s23 =	simm.s32 $0x1A0  }
0xf8: {  	v5 =	vld [tilespmem:s23+$0xFFFFFFE0];
	(xrf1) =	vsort.ascd.msk.f32 $0xffff, v9, v1  }
0xf9: {  	(xrf1) =	vsort.dscd.msk.f32 $0xffff, v4, v2;
	v4, v6, _ =	vpop (xrf1)  }
0xfa: {  	(xrf1) =	vsort.ascd.msk.f32 $0xffff, v12, v3;
	v7, v8, _ =	vpop (xrf1)  }
0xfb: {  	v10, v11, _ =	vpop (xrf1)  }
0xfc: {  	v9 =	vld [tilespmem:s23+$0xFFFFFFF0];
	v4 =	vsel vm0, v4, v7;
	v6 =	vsel vm0, v6, v8;
	v7, v8, _ =	vpop (xrf1)  }
0xfd: {  	(xrf1) =	vsort.dscd.msk.f32 $0xffff, v5, v0;
	v5 =	vld [tilespmem:s23+$0x0];
	v7 =	vsel vm0, v10, v7  }
0xfe: {  	s24 =	simm.s32 $0x220;
	v12 =	vld [tilespmem:s23+$0x10];
	v8 =	vsel vm0, v11, v8  }
0xff: {  	(xrf1) =	vsort.dscd.msk.f32 $0xffff, v4, v6;
	v4 =	vld [tilespmem:s24+$0xFFFFFFE0]  }
0x100: {  	(xrf1) =	vsort.ascd.msk.f32 $0xffff, v7, v8  }
0x101: {  	(xrf1) =	vsort.ascd.msk.f32 $0xffff, v9, v1;
	v6, v7, _ =	vpop (xrf1)  }
0x102: {  	(xrf1) =	vsort.dscd.msk.f32 $0xffff, v5, v2;
	v5, v8, _ =	vpop (xrf1)  }
0x103: {  	(xrf1) =	vsort.ascd.msk.f32 $0xffff, v12, v3;
	v9, v10, _ =	vpop (xrf1)  }
0x104: {  	(xrf1) =	vsort.dscd.msk.f32 $0xffff, v4, v0;
	v4 =	vsel vm0, v5, v9;
	v5 =	vsel vm0, v8, v10;
	_ =	sdelay $0x1  }
0x105: {  	v8, v9, _ =	vpop (xrf1)  }
0x106: {  	(xrf1) =	vsort.dscd.msk.f32 $0xffff, v4, v5;
	v4 =	vld [tilespmem:s24+$0xFFFFFFF0];
	v5, v10, _ =	vpop (xrf1)  }
0x107: {  	v11 =	vld [tilespmem:s24+$0x0];
	v6 =	vsel vm0, v6, v8;
	v7 =	vsel vm0, v7, v9;
	v8, v9, _ =	vpop (xrf1)  }
0x108: {  	s25 =	simm.s32 $0x2A0;
	v12 =	vld [tilespmem:s24+$0x10];
	v5 =	vsel vm0, v5, v8;
	v8 =	vsel vm0, v10, v9  }
0x109: {  	(xrf1) =	vsort.dscd.msk.f32 $0xffff, v6, v7;
	v6 =	vld [tilespmem:s25+$0xFFFFFFE0]  }
0x10a: {  	(xrf1) =	vsort.ascd.msk.f32 $0xffff, v5, v8  }
0x10b: {  	(xrf1) =	vsort.ascd.msk.f32 $0xffff, v4, v1;
	v5, v7, _ =	vpop (xrf1)  }
0x10c: {  	(xrf1) =	vsort.dscd.msk.f32 $0xffff, v11, v2;
	v4, v8, _ =	vpop (xrf1)  }
0x10d: {  	(xrf1) =	vsort.ascd.msk.f32 $0xffff, v12, v3;
	v9, v10, _ =	vpop (xrf1)  }
0x10e: {  	(xrf1) =	vsort.dscd.msk.f32 $0xffff, v6, v0;
	v6 =	vsel vm0, v8, v10  }
0x10f: {  	v4 =	vsel vm0, v4, v9;
	_ =	sdelay $0x1  }
0x110: {  	v8, v9, _ =	vpop (xrf1)  }
0x111: {  	(xrf1) =	vsort.dscd.msk.f32 $0xffff, v4, v6;
	v4, v6, _ =	vpop (xrf1)  }
0x112: {  	v5 =	vsel vm0, v5, v8;
	v7 =	vsel vm0, v7, v9;
	v8, v9, _ =	vpop (xrf1)  }
0x113: {  	v4 =	vsel vm0, v4, v8;
	_ =	sdelay $0x1  }
0x114: {  	v10 =	vld [tilespmem:s25+$0xFFFFFFF0]  }
0x115: {  	(xrf1) =	vsort.dscd.msk.f32 $0xffff, v5, v7;
	v13, v14, _ =	vpop (xrf1);
	v6 =	vsel vm0, v6, v9  }
0x116: {  	v11 =	vld [tilespmem:s25+$0x0];
	(xrf1) =	vsort.ascd.msk.f32 $0xffff, v4, v6;
	v5, v4, _ =	vpop (xrf1)  }
0x117: {  	s26 =	simm.s32 $0x320;
	v12 =	vld [tilespmem:s25+$0x10];
	v6 =	vnsel vm0, $0x0, v5  }
0x118: {  	v7 =	vld [tilespmem:s26+$0xFFFFFFE0]  }
0x119: {  	(xrf1) =	vsort.ascd.msk.f32 $0xffff, v10, v1  }
0x11a: {  	(xrf2) =	vadd.scan.msk.f32 $0xffff, v6;
	v6, v8, _ =	vpop (xrf1)  }
0x11b: {  	(xrf1) =	vsort.dscd.msk.f32 $0xffff, v11, v2;
	v9, v10, _ =	vpop (xrf1)  }
0x11c: {  	(xrf1) =	vsort.ascd.msk.f32 $0xffff, v12, v3  }
0x11d: {  	(xrf1) =	vsort.dscd.msk.f32 $0xffff, v7, v0;
	v6 =	vsel vm0, v6, v9;
	v7 =	vsel vm0, v8, v10;
	v8, v9, _ =	vpop (xrf1)  }
0x11e: {  	v10, v11, _ =	vpop (xrf1)  }
0x11f: {  	v12, v15, _ =	vpop (xrf1)  }
0x120: {  	v17, v18, _ =	vpop (xrf1)  }
0x121: {  	v16 =	vld [tilespmem:s26+$0xFFFFFFF0];
	(xrf1) =	vsort.dscd.msk.f32 $0xffff, v6, v7;
	v8 =	vsel vm0, v13, v8;
	v9 =	vsel vm0, v14, v9;
	v7, v6, _ =	vpop (xrf1)  }
0x122: {  	v19 =	vld [tilespmem:s26+$0x0];
	(xrf1) =	vsort.dscd.msk.f32 $0xffff, v8, v9;
	v9 =	vsel vm0, v10, v12;
	v10 =	vsel vm0, v11, v15;
	v8 =	vnsel vm0, $0x0, v7  }
0x123: {  	s28 =	simm.s32 $0x3A0;
	v13 =	vld [tilespmem:s26+$0x10]  }
0x124: {  	v11 =	vld [tilespmem:s28+$0xFFFFFFE0];
	(xrf1) =	vsort.ascd.msk.f32 $0xffff, v9, v10  }
0x125: {  	(xrf2) =	vadd.scan.msk.f32 $0xffff, v8;
	v8, _, _ =	vpop (xrf2)  }
0x126: {  	(xrf1) =	vsort.ascd.msk.f32 $0xffff, v16, v1;
	v9, v10, _ =	vpop (xrf1)  }
0x127: {  	(xrf1) =	vsort.dscd.msk.f32 $0xffff, v19, v2;
	v12, v14, _ =	vpop (xrf1)  }
0x128: {  	(xrf1) =	vsort.ascd.msk.f32 $0xffff, v13, v3;
	v13, v15, _ =	vpop (xrf1)  }
0x129: {  	(xrf1) =	vsort.dscd.msk.f32 $0xffff, v11, v0;
	v9 =	vsel vm0, v9, v12;
	v10 =	vsel vm0, v10, v14;
	v11, v12, _ =	vpop (xrf1)  }
0x12a: {  	(xrf1) =	vsort.dscd.msk.f32 $0xffff, v9, v10;
	v9 =	vsel vm0, v17, v13;
	v13 =	vsel vm0, v18, v15;
	v14, v15, _ =	vpop (xrf1)  }
0x12b: {  	(v2sf) =	vpush v8, $0xF;
	v8 =	vsel vm0, v11, v14;
	_ =	sdelay $0x1  }
0x12c: {  	v16 =	vld [tilespmem:s28+$0xFFFFFFF0]  }
0x12d: {  	(xrf1) =	vsort.dscd.msk.f32 $0xffff, v9, v13;
	v18, v19, _ =	vpop (xrf1);
	v11 =	vsel vm0, v12, v15  }
0x12e: {  	v10 =	vld [tilespmem:s28+$0x0];
	(xrf1) =	vsort.ascd.msk.f32 $0xffff, v8, v11;
	v9, v8, _ =	vpop (xrf1)  }
0x12f: {  	s29 =	simm.s32 $0x420;
	v17 =	vld [tilespmem:s28+$0x10];
	v11 =	vnsel vm0, $0x0, v9  }
0x130: {  	v12 =	vld [tilespmem:s29+$0xFFFFFFE0]  }
0x131: {  	(xrf1) =	vsort.ascd.msk.f32 $0xffff, v16, v1  }
0x132: {  	(xrf2) =	vadd.scan.msk.f32 $0xffff, v11;
	v11, _, _ =	vpop (xrf2)  }
0x133: {  	(xrf1) =	vsort.dscd.msk.f32 $0xffff, v10, v2  }
0x134: {  	(xrf1) =	vsort.ascd.msk.f32 $0xffff, v17, v3;
	(v2sf) =	vpush v11, $0xF;
	v10, v11, _ =	vpop (xrf1)  }
0x135: {  	(xrf1) =	vsort.dscd.msk.f32 $0xffff, v12, v0;
	v12, v13, _ =	vpop (xrf1)  }
0x136: {  	v14, v15, _ =	vpop (xrf1);
	v10 =	vsel vm0, v10, v12;
	v11 =	vsel vm0, v11, v13  }
0x137: {  	(xrf1) =	vsort.dscd.msk.f32 $0xffff, v10, v11;
	v10 =	vsel vm0, v18, v14  }
0x138: {  	v16 =	vld [tilespmem:s29+$0xFFFFFFF0];
	v12, v13, _ =	vpop (xrf1);
	v11 =	vsel vm0, v19, v15  }
0x139: {  	v17 =	vld [tilespmem:s29+$0x0];
	v14, v15, _ =	vpop (xrf1)  }
0x13a: {  	v19, v20, _ =	vpop (xrf1)  }
0x13b: {  	s30 =	simm.s32 $0x4A0;
	v18 =	vld [tilespmem:s29+$0x10];
	(xrf1) =	vsort.dscd.msk.f32 $0xffff, v10, v11;
	v12 =	vsel vm0, v12, v14;
	v13 =	vsel vm0, v13, v15;
	v11, v10, _ =	vpop (xrf1)  }
0x13c: {  	s31 =	spop (v2sf);
	v14 =	vld [tilespmem:s30+$0xFFFFFFE0];
	(xrf1) =	vsort.ascd.msk.f32 $0xffff, v12, v13;
	v12 =	vnsel vm0, $0x0, v11  }
0x13d: {  	s15 =	sadd.f32 $9.999999970e-07, s31;
	(xrf1) =	vsort.ascd.msk.f32 $0xffff, v16, v1  }
0x13e: {  	v15, _, _ =	vpop (xrf2);
	(xrf1) =	vsort.dscd.msk.f32 $0xffff, v17, v2  }
0x13f: {  	v61 =	vmov s15;
	(xrf2) =	vadd.scan.msk.f32 $0xffff, v12;
	v12, v13, _ =	vpop (xrf1)  }
0x140: {  	(erf) = vrcp.f32 v61;
	(xrf1) =	vsort.ascd.msk.f32 $0xffff, v18, v3;
	v16, v17, _ =	vpop (xrf1)  }
0x141: {  	(v2sf) =	vpush v15, $0xF;
	(xrf1) =	vsort.dscd.msk.f32 $0xffff, v14, v0;
	v18, v60, _ =	vpop (xrf1);
	v14 =	vsel vm0, v12, v16;
	v13 =	vsel vm0, v13, v17  }
0x142: {  	(xrf1) =	vsort.dscd.msk.f32 $0xffff, v14, v13;
	v19 =	vsel vm0, v19, v18;
	v20 =	vsel vm0, v20, v60  }
0x143: {  	s17 =	simm.s32 $0xC0;
	(xrf1) =	vsort.dscd.msk.f32 $0xffff, v19, v20  }
0x144: {  	s16 =	simm.s32 $0x100;
	s18 =	simm.s32 $0xE0;
	s19 =	simm.s32 $0x80;
	v12 =	vld [tilespmem:s30+$0xFFFFFFF0]  }
0x145: {  	s20 =	simm.s32 $0xA0;
	s21 =	simm.s32 $0x60;
	s22 =	simm.s32 $0x20;
	v17, v62, _ =	vpop (xrf1)  }
0x146: {  	s23 =	simm.s32 $0x40;
	s25 =	simm.s32 $0x520;
	v13 =	vld [tilespmem:s30+$0x0];
	s28 =	spop (v2sf);
	v18, v63, _ =	vpop (xrf1)  }
0x147: {  	s26 =	simm.s32 $0x140;
	s15 =	simm.s32 $0x120;
	v16 =	vld [tilespmem:s30+$0x10];
	s24 =	sadd.f32 $9.999999970e-07, s28;
	v17 =	vsel vm0, v17, v18;
	v18 =	vsel vm0, v62, v63;
	v15, v14, _ =	vpop (xrf1)  }
.LBB2_4:
0x148: {  	v19 =	vld [tilespmem:s25+$0xFFFFFFE0];
	p0 =	sne.s32 s26, $0x3FE0;
	(xrf1) =	vsort.ascd.msk.f32 $0xffff, v17, v18;
	v17, v18, _ =	vpop (xrf1)  }
0x149: {  	(xrf1) =	vsort.ascd.msk.f32 $0xffff, v12, v1;
	v22 =	vnsel vm0, $0x0, v17;
	v20 =	vmov s24;
	v21 =	vpop (erf)  }
0x14a: {  	(xrf2) =	vadd.scan.msk.f32 $0xffff, v22;
	v12, _, _ =	vpop (xrf2);
	(erf) = vrcp.f32 v20;
	v20 =	vmul.f32 v21, v5;
	v5 =	vmov v7  }
0x14b: {  	s24 =	sshra.s32 s14, $0x2;
	s14 =	smov.u32 s22;
	s22 =	smov.u32 s23;
	v7 =	vmov v9;
	v9 =	vmov v11;
	(xrf1) =	vsort.dscd.msk.f32 $0xffff, v13, v2;
	v13, v21, _ =	vpop (xrf1);
	(v2sf) =	vpush v12, $0xF  }
0x14c: {  	s23 =	smov.u32 s21;
	s21 =	smov.u32 s19;
	s19 =	smov.u32 s20;
	v11 =	vmov v17;
	(xrf1) =	vsort.ascd.msk.f32 $0xffff, v16, v3;
	v12, v16, _ =	vpop (xrf1);
	[tilespmem:s24+$0x10000] =	vst.msk $0xff, v20  }
.Ltmp1:
0x14d: {  	s20 =	smov.u32 s17;
	s17 =	smov.u32 s18;
	(xrf1) =	vsort.dscd.msk.f32 $0xffff, v19, v0;
	v17, v19, _ =	vpop (xrf1);
	v13 =	vsel vm0, v13, v12;
	v16 =	vsel vm0, v21, v16;
	[tilespmem:s24+$0x11080] =	vst.msk $0xff, v4;
	(pc) =	sbr.rel @p0 .LBB2_4-.Ltmp1, $4  }
0x14e: {  	s18 =	smov.u32 s16;
	s16 =	smov.u32 s15;
	s15 =	smov.u32 s26;
	v4 =	vmovc v6;
	v6 =	vmov v8;
	v8 =	vmov v10;
	v10 =	vmov v18;
	v12 =	vld [tilespmem:s25+$0xFFFFFFF0];
	(xrf1) =	vsort.dscd.msk.f32 $0xffff, v13, v16  }
0x14f: {  	v18, v20, _ =	vpop (xrf1)  }
0x150: {  	v21 =	vsel vm0, v15, v17;
	v19 =	vsel vm0, v14, v19;
	v13 =	vld [tilespmem:s25+$0x0];
	v17, v22, _ =	vpop (xrf1);
	s24 =	spop (v2sf)  }
0x151: {  	s26 =	sadd.s32 $0x20, s26;
	v16 =	vld [tilespmem:s25+$0x10];
	s25 =	sadd.s32 $0x80, s25;
	v15, v14, _ =	vpop (xrf1);
	v17 =	vsel vm0, v18, v17;
	v18 =	vsel vm0, v20, v22;
	(xrf1) =	vsort.dscd.msk.f32 $0xffff, v21, v19;
	s24 =	sadd.f32 $9.999999970e-07, s24  }
0x152: {  	(xrf1) =	vsort.ascd.msk.f32 $0xffff, v17, v18;
	_ =	sdelay $0x2  }
0x153: {  	(xrf1) =	vsort.ascd.msk.f32 $0xffff, v12, v1  }
0x154: {  	(xrf1) =	vsort.dscd.msk.f32 $0xffff, v13, v2  }
0x155: {  	(xrf1) =	vsort.ascd.msk.f32 $0xffff, v16, v3;
	v16, v12, _ =	vpop (xrf1)  }
0x156: {  	v17, v18, _ =	vpop (xrf1)  }
0x157: {  	v19, v20, _ =	vpop (xrf1)  }
0x158: {  	v21, v22, _ =	vpop (xrf1)  }
0x159: {  	v23, v24, _ =	vpop (xrf1)  }
0x15a: {  	v18 =	vsel vm0, v18, v20;
	v25, v26, _ =	vpop (xrf1)  }
0x15b: {  	v17 =	vsel vm0, v17, v19;
	v27, v28, _ =	vpop (xrf1)  }
0x15c: {  	v29, v13, _ =	vpop (xrf1)  }
0x15d: {  	(xrf1) =	vsort.dscd.msk.f32 $0xffff, v17, v18;
	v15 =	vsel vm0, v15, v21;
	v14 =	vsel vm0, v14, v22;
	v62, v63, _ =	vpop (xrf1)  }
0x15e: {  	(xrf1) =	vsort.dscd.msk.f32 $0xffff, v15, v14;
	v17, v18, _ =	vpop (xrf1)  }
0x15f: {  	v25 =	vsel vm0, v23, v25;
	v26 =	vsel vm0, v24, v26;
	v18 =	vsel vm0, v63, v18  }
0x160: {  	(xrf1) =	vsort.ascd.msk.f32 $0xffff, v25, v26;
	v17 =	vsel vm0, v62, v17  }
0x161: {  	v14, v15, _ =	vpop (xrf1)  }
0x162: {  	v30, v31, _ =	vpop (xrf1)  }
0x163: {  	(xrf1) =	vsort.dscd.msk.f32 $0xffff, v17, v18;
	v14 =	vsel vm0, v27, v14;
	v15 =	vsel vm0, v28, v15;
	v17, v18, _ =	vpop (xrf1)  }
0x164: {  	(xrf1) =	vsort.dscd.msk.f32 $0xffff, v14, v15;
	v17 =	vsel vm0, v30, v17;
	v18 =	vsel vm0, v31, v18  }
0x165: {  	(xrf1) =	vsort.ascd.msk.f32 $0xffff, v17, v18;
	_ =	sdelay $0x6  }
0x166: {  	v14, v15, _ =	vpop (xrf1)  }
0x167: {  	v17, v18, _ =	vpop (xrf1)  }
0x168: {  	v32, v33, _ =	vpop (xrf1)  }
0x169: {  	v18 =	vsel vm0, v18, v33  }
0x16a: {  	v17 =	vsel vm0, v17, v32  }
0x16b: {  	v21, v22, _ =	vpop (xrf1)  }
0x16c: {  	v34, v35, _ =	vpop (xrf1)  }
0x16d: {  	(xrf1) =	vsort.dscd.msk.f32 $0xffff, v17, v18;
	v17, v18, _ =	vpop (xrf1)  }
0x16e: {  	v17 =	vsel vm0, v34, v17;
	v18 =	vsel vm0, v35, v18  }
0x16f: {  	(xrf1) =	vsort.dscd.msk.f32 $0xffff, v17, v18;
	_ =	sdelay $0x4  }
0x170: {  	v36 =	vnsel vm0, $0x0, v16  }
0x171: {  	(xrf2) =	vadd.scan.msk.f32 $0xffff, v36  }
0x172: {  	v37 =	vnsel vm0, $0x0, v29  }
0x173: {  	(xrf2) =	vadd.scan.msk.f32 $0xffff, v37  }
0x174: {  	v38 =	vnsel vm0, $0x0, v14  }
0x175: {  	(xrf2) =	vadd.scan.msk.f32 $0xffff, v38  }
0x176: {  	v39 =	vnsel vm0, $0x0, v21  }
0x177: {  	(xrf2) =	vadd.scan.msk.f32 $0xffff, v39;
	v41, v40, _ =	vpop (xrf1)  }
0x178: {  	v42, _, _ =	vpop (xrf2);
	v43 =	vnsel vm0, $0x0, v41  }
0x179: {  	(xrf2) =	vadd.scan.msk.f32 $0xffff, v43;
	v45, v44, _ =	vpop (xrf1)  }
0x17a: {  	(v2sf) =	vpush v42, $0xF;
	v46 =	vnsel vm0, $0x0, v45  }
0x17b: {  	v47, _, _ =	vpop (xrf2);
	(xrf2) =	vadd.scan.msk.f32 $0xffff, v46  }
0x17c: {  	(v2sf) =	vpush v47, $0xF  }
0x17d: {  	v48, _, _ =	vpop (xrf2)  }
0x17e: {  	(v2sf) =	vpush v48, $0xF  }
0x17f: {  	v49, _, _ =	vpop (xrf2)  }
0x180: {  	(v2sf) =	vpush v49, $0xF  }
0x181: {  	v50, _, _ =	vpop (xrf2)  }
0x182: {  	(v2sf) =	vpush v50, $0xF  }
0x183: {  	v51, _, _ =	vpop (xrf2)  }
0x184: {  	(v2sf) =	vpush v51, $0xF  }
0x185: {  	v52, _, _ =	vpop (xrf2)  }
0x186: {  	(v2sf) =	vpush v52, $0xF  }
0x187: {  	v53 =	vmov s24;
	s25 =	spop (v2sf)  }
0x188: {  	(erf) = vrcp.f32 v53;
	s28 =	sadd.f32 $9.999999970e-07, s25  }
0x189: {  	s29 =	spop (v2sf)  }
0x18a: {  	v54 =	vmov s28;
	s30 =	sadd.f32 $9.999999970e-07, s29  }
0x18b: {  	(erf) = vrcp.f32 v54;
	s31 =	spop (v2sf)  }
0x18c: {  	v55 =	vmov s30;
	s25 =	sadd.f32 $9.999999970e-07, s31  }
0x18d: {  	(erf) = vrcp.f32 v55;
	s26 =	spop (v2sf)  }
0x18e: {  	v56 =	vmov s25;
	s28 =	sadd.f32 $9.999999970e-07, s26  }
0x18f: {  	v57 =	vpop (erf);
	(erf) = vrcp.f32 v56;
	s29 =	spop (v2sf)  }
0x190: {  	v5 =	vmul.f32 v57, v5;
	v58 =	vmov s28;
	s30 =	sadd.f32 $9.999999970e-07, s29  }
0x191: {  	s14 =	sshra.s32 s14, $0x2;
	v59 =	vpop (erf);
	(erf) = vrcp.f32 v58;
	s31 =	spop (v2sf)  }
0x192: {  	[tilespmem:s14+$0x10000] =	vst.msk $0xff, v5;
	v5 =	vmul.f32 v59, v7;
	v60 =	vmov s30;
	s25 =	sadd.f32 $9.999999970e-07, s31  }
0x193: {  	[tilespmem:s14+$0x11080] =	vst.msk $0xff, v4;
	s24 =	sshra.s32 s21, $0x2;
	(erf) = vrcp.f32 v60;
	s26 =	spop (v2sf)  }
0x194: {  	[tilespmem:s24+$0x11080] =	vst.msk $0xff, v10;
	v4 =	vpop (erf);
	s28 =	sshra.s32 s22, $0x2;
	v61 =	vmov s25;
	s29 =	sadd.f32 $9.999999970e-07, s26  }
0x195: {  	v4 =	vmul.f32 v4, v9;
	[tilespmem:s28+$0x10000] =	vst.msk $0xff, v5;
	(erf) = vrcp.f32 v61;
	s30 =	spop (v2sf)  }
0x196: {  	[tilespmem:s28+$0x11080] =	vst.msk $0xff, v6;
	v5 =	vpop (erf);
	s31 =	sshra.s32 s23, $0x2;
	v62 =	vmov s29;
	s23 =	sadd.f32 $9.999999970e-07, s30  }
0x197: {  	s28 =	sshra.s32 s17, $0x2;
	[tilespmem:s31+$0x10000] =	vst.msk $0xff, v4;
	v4 =	vmul.f32 v5, v11;
	(erf) = vrcp.f32 v62  }
0x198: {  	[tilespmem:s28+$0x11080] =	vst.msk $0xff, v15;
	v5 =	vpop (erf);
	v63 =	vmov s23  }
0x199: {  	[tilespmem:s24+$0x10000] =	vst.msk $0xff, v4;
	v4 =	vmul.f32 v5, v16;
	(erf) = vrcp.f32 v63  }
0x19a: {  	[tilespmem:s31+$0x11080] =	vst.msk $0xff, v8;
	s25 =	sshra.s32 s19, $0x2;
	v5 =	vpop (erf)  }
0x19b: {  	s31 =	sshra.s32 s15, $0x2;
	[tilespmem:s25+$0x10000] =	vst.msk $0xff, v4;
	v4 =	vmul.f32 v5, v29  }
0x19c: {  	[tilespmem:s31+$0x11080] =	vst.msk $0xff, v44;
	v5 =	vpop (erf);
	s26 =	sshra.s32 s20, $0x2  }
0x19d: {  	[tilespmem:s26+$0x10000] =	vst.msk $0xff, v4;
	v4 =	vmul.f32 v5, v14  }
0x19e: {  	[tilespmem:s25+$0x11080] =	vst.msk $0xff, v12;
	v5 =	vpop (erf)  }
0x19f: {  	[tilespmem:s28+$0x10000] =	vst.msk $0xff, v4;
	v4 =	vmul.f32 v5, v21  }
0x1a0: {  	[tilespmem:s26+$0x11080] =	vst.msk $0xff, v13;
	s29 =	sshra.s32 s18, $0x2;
	v5 =	vpop (erf)  }
0x1a1: {  	[tilespmem:s29+$0x10000] =	vst.msk $0xff, v4;
	v4 =	vmul.f32 v5, v41  }
0x1a2: {  	[tilespmem:s29+$0x11080] =	vst.msk $0xff, v22;
	s30 =	sshra.s32 s16, $0x2;
	v5 =	vpop (erf)  }
0x1a3: {  	[tilespmem:s30+$0x10000] =	vst.msk $0xff, v4;
	v4 =	vmul.f32 v5, v45  }
0x1a4: {  	[tilespmem:s30+$0x11080] =	vst.msk $0xff, v40  }
0x1a5: {  	[tilespmem:s31+$0x10000] =	vst.msk $0xff, v4  }
0x1a6: {  	[hbm4b:s7+s2] =	stream.linear.scatter [tilespmem:s11], [sflag:$0x1], $0x1000, $0x38;
	[tilespmem:$0x12100] =	vst v63  }
0x1a7: {  	s13 =	sadd.s32 $0x1, s13;
	_ =	swait.ge [sflag:s10], $0x1000  }
0x1a8: {  	p0 =	sne.s32 s13, s9;
	[sflag:s10] =	ssyncset.done $0x0  }
.Ltmp2:
0x1a9: {  	[sflag:s10] =	ssyncadd.s32 $0xFFFFF000;
	(pc) =	sbr.rel @p0 .LBB2_1-.Ltmp2, $4  }
0x1aa: {  	[hbm4b:s8+s2] =	stream.linear.scatter [tilespmem:s12], [sflag:$0x1], $0x1000, $0x38;
	[tilespmem:$0x12100] =	vst v63  }
0x1ab: {  	_ =	swait.ge [sflag:s10], $0x1000  }
0x1ac: {  	[sflag:s10] =	ssyncset.done $0x0  }
0x1ad: {  	[sflag:s10] =	ssyncadd.s32 $0xFFFFF000  }
0x1ae: {  	_ =	sfence.sel $0x180000  }
0x1af: {  	[bflag:$0x0] =	sbarrier.arrive $0xFFFF  }
0x1b0: {  	p0 =	sne.s32 s1, $0x0;
	_ =	strace $0x90000047  }
0x1b1: {  	s0 =	sadd.s32 @!p0 $0x100000, s0;
	[bflag:$0x2] =	sbarrier.arrive $0xFFFF  }
0x1b2: {  	[sflag:s0] =	ssyncadd.tile.s32 @!p0 $0x1;
	_ =	shalt  }
.Lfunc_end2:
_tile_overlayer_lowered:
.L_overlay_start_2:
0x1b3: {  	(tag) =	ssettag $0x2  }
0x1b4: {  	s0 =	rddreg [dreg:$0x0];
	s2 =	stileid.u32  }
0x1b5: {  	s1 =	rddreg [dreg:$0x1];
	p0 =	sne.s32 s2, $0x0  }
0x1b6: {  	s3 =	rddreg [dreg:$0x2];
	[bflag:$0x3] =	sbarrier.arrive $0xFFFF;
	s2 =	simm.s32 @!p0 $0x1C01  }
0x1b7: {  	[timem:s3], [sflag:s2] =	dma.local @!p0 [hbm:s0], s1  }
0x1b8: {  	s0 =	simm.s32 @!p0 $0x1  }
0x1b9: {  	_ =	swait.ge @!p0 [sflag:s0], s1  }
0x1ba: {  	s1 =	ssub.s32 @!p0 $0x0, s1;
	[sflag:s0] =	ssyncset.done @!p0 $0x0  }
0x1bb: {  	[sflag:s0] =	ssyncadd.s32 @!p0 s1  }
0x1bc: {  	[bflag:$0x3] =	sbarrier.arrive $0xFFFF  }
0x1bd: {  	_ =	shalt  }

</sc_bundles>
